<compile_context>
chip_gen: v7x
topology: tpu7x:2x2x1
jax: 0.10.2.dev20260603
libtpu: 0.0.44.dev20260713+nightly
codegen_flags: <defaults>
</compile_context>

<pallas_src>
import functools

import jax
import jax.numpy as jnp
from jax import lax
from jax.experimental import pallas as pl
from jax.experimental.pallas import tpu as pltpu
from jax.experimental.pallas import tpu_sc as plsc

_NC = 2
_NS = 16
_L = 16
_NW = _NC * _NS
_CH = 128


def _sc_call(B, D, BPW, NCH):
    mesh = plsc.VectorSubcoreMesh(
        core_axis_name="c", subcore_axis_name="s",
        num_cores=_NC, num_subcores=_NS,
    )

    @functools.partial(
        pl.kernel,
        mesh=mesh,
        out_type=[
            jax.ShapeDtypeStruct((B,), jnp.float32),
            jax.ShapeDtypeStruct((B,), jnp.float32),
            jax.ShapeDtypeStruct((B, D), jnp.float32),
            jax.ShapeDtypeStruct((B, D), jnp.float32),
        ],
        scratch_types=[
            pltpu.VMEM((NCH, _CH), jnp.int32),
            pltpu.VMEM((NCH, _CH), jnp.int32),
            pltpu.VMEM((BPW, D), jnp.float32),
            pltpu.VMEM((BPW, D), jnp.float32),
            pltpu.VMEM((BPW,), jnp.float32),
            pltpu.VMEM((BPW,), jnp.float32),
            pltpu.SemaphoreType.DMA,
        ],
        compiler_params=pltpu.CompilerParams(
            needs_layout_passes=False, use_tc_tiling_on_sc=False,
        ),
    )
    def run(user_h, item_h, bi_h, gu_h, gi_h,
            xui_o, beta_o, gu_o, gi_o,
            idx_u, idx_i, gu_v, gi_v, beta_v, xui_v, sem):
        wid = lax.axis_index("s") * _NC + lax.axis_index("c")
        base = wid * BPW

        pltpu.sync_copy(user_h.at[wid], idx_u)
        pltpu.sync_copy(item_h.at[wid], idx_i)

        copies = []
        for c in range(NCH):
            sl = pl.ds(c * _CH, _CH)
            copies.append(pltpu.async_copy(gu_h.at[idx_u.at[c]], gu_v.at[sl], sem))
            copies.append(pltpu.async_copy(gi_h.at[idx_i.at[c]], gi_v.at[sl], sem))
            copies.append(pltpu.async_copy(bi_h.at[idx_i.at[c]], beta_v.at[sl], sem))
        for cp in copies:
            cp.wait()

        iota = lax.iota(jnp.int32, _L)

        def body(t, carry):
            rows = t * _L + iota
            acc = beta_v[pl.ds(t * _L, _L)]
            for j in range(D):
                colj = jnp.full((_L,), j, jnp.int32)
                acc = acc + (plsc.load_gather(gu_v, [rows, colj])
                             * plsc.load_gather(gi_v, [rows, colj]))
            xui_v[pl.ds(t * _L, _L)] = acc
            return carry

        lax.fori_loop(0, BPW // _L, body, 0)

        out_sl = pl.ds(base, BPW)
        pltpu.sync_copy(xui_v, xui_o.at[out_sl])
        pltpu.sync_copy(beta_v, beta_o.at[out_sl])
        pltpu.sync_copy(gu_v, gu_o.at[out_sl])
        pltpu.sync_copy(gi_v, gi_o.at[out_sl])

    return run


def kernel(user, item, Bi, Gu, Gi):
    B = user.shape[0]
    D = Gu.shape[1]
    BPW = B // _NW
    NCH = BPW // _CH

    user_r = user.astype(jnp.int32).reshape(_NW, NCH, _CH)
    item_r = item.astype(jnp.int32).reshape(_NW, NCH, _CH)

    run = _sc_call(B, D, BPW, NCH)
    xui, beta, gu_g, gi_g = run(user_r, item_r, Bi, Gu, Gi)
    return (xui, beta, gu_g, gi_g)

# --- scband reference (transcript-rebuilt; emitter-appended) ---
"""Pipeline reference for scband-ka-hfm-model-65712999629191 (READ-ONLY COPY).

The authoritative reference and input builder live on the scoring server;
editing this copy changes nothing except your own understanding.
"""

import jax, jax.numpy as jnp
import numpy as np

N_USERS = 1000000
N_ITEMS = 1000000
EMBED_DIM = 16
BATCH = 16384


def setup_inputs(seed: int = 0) -> dict:
    key = jax.random.key(seed)
    k_u, k_i, k_gu, k_gi = jax.random.split(key, 4)
    user = jax.random.randint(k_u, (BATCH,), 0, N_USERS, dtype=jnp.int64 if jax.config.jax_enable_x64 else jnp.int32)
    item = jax.random.randint(k_i, (BATCH,), 0, N_ITEMS, dtype=jnp.int64 if jax.config.jax_enable_x64 else jnp.int32)
    Gu = jax.random.normal(k_gu, (N_USERS, EMBED_DIM), dtype=jnp.float32)
    Gi = jax.random.normal(k_gi, (N_ITEMS, EMBED_DIM), dtype=jnp.float32)
    Bi = jnp.zeros((N_ITEMS,), dtype=jnp.float32)
    return {"user": user, "item": item, "Bi": Bi, "Gu": Gu, "Gi": Gi}


def reference(user, item, Bi, Gu, Gi):
    # tf.nn.embedding_lookup -> gather by index
    beta_i = jnp.squeeze(jnp.take(Bi, item, axis=0))
    gamma_u = jnp.squeeze(jnp.take(Gu, user, axis=0))
    gamma_i = jnp.squeeze(jnp.take(Gi, item, axis=0))
    xui = beta_i + jnp.sum(gamma_u * gamma_i, axis=1)
    return (xui, beta_i, gamma_u, gamma_i)

if __name__ == "__main__":
    import jax
    _d = setup_inputs()
    print(jax.jit(kernel)(*tuple(_d.values())))

</pallas_src>

<mosaic_0001>
#map = affine_map<(d0, d1) -> (0, 0, 0)>
#map1 = affine_map<(d0, d1) -> (0)>
#map2 = affine_map<(d0, d1) -> (0, 0)>
module attributes {stable_mosaic.version = 14 : i64} {
  func.func @run(%arg0: i32, %arg1: i32, %arg2: memref<32x4x128xi32, #tpu.memory_space<hbm>>, %arg3: memref<32x4x128xi32, #tpu.memory_space<hbm>>, %arg4: memref<1000000xf32, #tpu.memory_space<hbm>>, %arg5: memref<1000000x16xf32, #tpu.memory_space<hbm>>, %arg6: memref<1000000x16xf32, #tpu.memory_space<hbm>>, %arg7: memref<16384xf32, #tpu.memory_space<hbm>>, %arg8: memref<16384xf32, #tpu.memory_space<hbm>>, %arg9: memref<16384x16xf32, #tpu.memory_space<hbm>>, %arg10: memref<16384x16xf32, #tpu.memory_space<hbm>>, %arg11: memref<4x128xi32, #tpu.memory_space<vmem>>, %arg12: memref<4x128xi32, #tpu.memory_space<vmem>>, %arg13: memref<512x16xf32, #tpu.memory_space<vmem>>, %arg14: memref<512x16xf32, #tpu.memory_space<vmem>>, %arg15: memref<512xf32, #tpu.memory_space<vmem>>, %arg16: memref<512xf32, #tpu.memory_space<vmem>>, %arg17: memref<!tpu.dma_semaphore, #tpu.memory_space<semaphore_mem>>) attributes {dimension_semantics = [#tpu.dimension_semantics<core_parallel>, #tpu.dimension_semantics<subcore_parallel>], iteration_bounds = array<i64: 2, 16>, scalar_prefetch = 0 : i64, scratch_operands = 7 : i64, tpu.core_type = #tpu.core_type<sc_vector_subcore>, window_params = [{transform_indices = #map}, {transform_indices = #map}, {transform_indices = #map1}, {transform_indices = #map2}, {transform_indices = #map2}, {transform_indices = #map1}, {transform_indices = #map1}, {transform_indices = #map2}, {transform_indices = #map2}]} {
    %mul3A = arith.constant 2 : i32
    %mul3A_0 = arith.muli %arg1, %mul3A : i32
    %add3A = arith.addi %mul3A_0, %arg0 : i32
    %mul3A_1 = arith.constant 512 : i32
    %mul3A_2 = arith.muli %add3A, %mul3A_1 : i32
    "tpu.region"() ({
      %run_scoped3A = tpu.sem_alloc : memref<!tpu.dma_semaphore, #tpu.memory_space<semaphore_mem>>
      %dma_start3A_230 = arith.constant 0 : i32
      %dma_start3A_231 = arith.constant 0 : i32
      %dma_start3A_232 = tpu.memref_slice %arg2[%add3A, %dma_start3A_230, %dma_start3A_231] : memref<32x4x128xi32, #tpu.memory_space<hbm>> -> memref<1x4x128xi32, #tpu.memory_space<hbm>>
      %dma_start3A_233 = tpu.memref_squeeze %dma_start3A_232 : memref<1x4x128xi32, #tpu.memory_space<hbm>> -> memref<4x128xi32, #tpu.memory_space<hbm>>
      %dma_start3A_234 = arith.constant 0 : i32
      %dma_start3A_235 = arith.constant 0 : i32
      %dma_start3A_236 = tpu.memref_slice %arg2[%add3A, %dma_start3A_234, %dma_start3A_235] : memref<32x4x128xi32, #tpu.memory_space<hbm>> -> memref<1x4x128xi32, #tpu.memory_space<hbm>>
      %dma_start3A_237 = tpu.memref_squeeze %dma_start3A_236 : memref<1x4x128xi32, #tpu.memory_space<hbm>> -> memref<4x128xi32, #tpu.memory_space<hbm>>
      tpu.enqueue_dma source(%dma_start3A_237 : memref<4x128xi32, #tpu.memory_space<hbm>>) target(%arg11 : memref<4x128xi32, #tpu.memory_space<vmem>>) target_semaphore(%run_scoped3A : memref<!tpu.dma_semaphore, #tpu.memory_space<semaphore_mem>>)
      %dma_wait3A_238 = arith.constant 0 : i32
      %dma_wait3A_239 = arith.constant 0 : i32
      %dma_wait3A_240 = tpu.memref_slice %arg2[%add3A, %dma_wait3A_238, %dma_wait3A_239] : memref<32x4x128xi32, #tpu.memory_space<hbm>> -> memref<1x4x128xi32, #tpu.memory_space<hbm>>
      %dma_wait3A_241 = tpu.memref_squeeze %dma_wait3A_240 : memref<1x4x128xi32, #tpu.memory_space<hbm>> -> memref<4x128xi32, #tpu.memory_space<hbm>>
      %dma_wait3A_242 = arith.constant 0 : i32
      %dma_wait3A_243 = arith.constant 0 : i32
      %dma_wait3A_244 = tpu.memref_slice %arg2[%add3A, %dma_wait3A_242, %dma_wait3A_243] : memref<32x4x128xi32, #tpu.memory_space<hbm>> -> memref<1x4x128xi32, #tpu.memory_space<hbm>>
      %dma_wait3A_245 = tpu.memref_squeeze %dma_wait3A_244 : memref<1x4x128xi32, #tpu.memory_space<hbm>> -> memref<4x128xi32, #tpu.memory_space<hbm>>
      tpu.wait_dma2 semaphore(%run_scoped3A : memref<!tpu.dma_semaphore, #tpu.memory_space<semaphore_mem>>) src(%dma_wait3A_245 : memref<4x128xi32, #tpu.memory_space<hbm>>) dst(%arg11 : memref<4x128xi32, #tpu.memory_space<vmem>>)
      tpu.yield
    }) : () -> ()
    "tpu.region"() ({
      %run_scoped3A = tpu.sem_alloc : memref<!tpu.dma_semaphore, #tpu.memory_space<semaphore_mem>>
      %dma_start3A_230 = arith.constant 0 : i32
      %dma_start3A_231 = arith.constant 0 : i32
      %dma_start3A_232 = tpu.memref_slice %arg3[%add3A, %dma_start3A_230, %dma_start3A_231] : memref<32x4x128xi32, #tpu.memory_space<hbm>> -> memref<1x4x128xi32, #tpu.memory_space<hbm>>
      %dma_start3A_233 = tpu.memref_squeeze %dma_start3A_232 : memref<1x4x128xi32, #tpu.memory_space<hbm>> -> memref<4x128xi32, #tpu.memory_space<hbm>>
      %dma_start3A_234 = arith.constant 0 : i32
      %dma_start3A_235 = arith.constant 0 : i32
      %dma_start3A_236 = tpu.memref_slice %arg3[%add3A, %dma_start3A_234, %dma_start3A_235] : memref<32x4x128xi32, #tpu.memory_space<hbm>> -> memref<1x4x128xi32, #tpu.memory_space<hbm>>
      %dma_start3A_237 = tpu.memref_squeeze %dma_start3A_236 : memref<1x4x128xi32, #tpu.memory_space<hbm>> -> memref<4x128xi32, #tpu.memory_space<hbm>>
      tpu.enqueue_dma source(%dma_start3A_237 : memref<4x128xi32, #tpu.memory_space<hbm>>) target(%arg12 : memref<4x128xi32, #tpu.memory_space<vmem>>) target_semaphore(%run_scoped3A : memref<!tpu.dma_semaphore, #tpu.memory_space<semaphore_mem>>)
      %dma_wait3A_238 = arith.constant 0 : i32
      %dma_wait3A_239 = arith.constant 0 : i32
      %dma_wait3A_240 = tpu.memref_slice %arg3[%add3A, %dma_wait3A_238, %dma_wait3A_239] : memref<32x4x128xi32, #tpu.memory_space<hbm>> -> memref<1x4x128xi32, #tpu.memory_space<hbm>>
      %dma_wait3A_241 = tpu.memref_squeeze %dma_wait3A_240 : memref<1x4x128xi32, #tpu.memory_space<hbm>> -> memref<4x128xi32, #tpu.memory_space<hbm>>
      %dma_wait3A_242 = arith.constant 0 : i32
      %dma_wait3A_243 = arith.constant 0 : i32
      %dma_wait3A_244 = tpu.memref_slice %arg3[%add3A, %dma_wait3A_242, %dma_wait3A_243] : memref<32x4x128xi32, #tpu.memory_space<hbm>> -> memref<1x4x128xi32, #tpu.memory_space<hbm>>
      %dma_wait3A_245 = tpu.memref_squeeze %dma_wait3A_244 : memref<1x4x128xi32, #tpu.memory_space<hbm>> -> memref<4x128xi32, #tpu.memory_space<hbm>>
      tpu.wait_dma2 semaphore(%run_scoped3A : memref<!tpu.dma_semaphore, #tpu.memory_space<semaphore_mem>>) src(%dma_wait3A_245 : memref<4x128xi32, #tpu.memory_space<hbm>>) dst(%arg12 : memref<4x128xi32, #tpu.memory_space<vmem>>)
      tpu.yield
    }) : () -> ()
    %dma_start3A = arith.constant 0 : i32
    %dma_start3A_3 = arith.constant 0 : i32
    %dma_start3A_4 = arith.constant 0 : i32
    %dma_start3A_5 = tpu.memref_slice %arg13[%dma_start3A_3, %dma_start3A_4] : memref<512x16xf32, #tpu.memory_space<vmem>> -> memref<128x16xf32, #tpu.memory_space<vmem>>
    %dma_start3A_6 = arith.constant 0 : i32
    %dma_start3A_7 = tpu.memref_slice %arg11[%dma_start3A, %dma_start3A_6] : memref<4x128xi32, #tpu.memory_space<vmem>> -> memref<1x128xi32, #tpu.memory_space<vmem>>
    %dma_start3A_8 = tpu.memref_squeeze %dma_start3A_7 : memref<1x128xi32, #tpu.memory_space<vmem>> -> memref<128xi32, #tpu.memory_space<vmem>>
    %dma_start3A_9 = arith.constant 0 : i32
    %dma_start3A_10 = arith.constant 0 : i32
    %dma_start3A_11 = tpu.memref_slice %arg5[%dma_start3A_9, %dma_start3A_10] : memref<1000000x16xf32, #tpu.memory_space<hbm>> -> memref<1000000x16xf32, #tpu.memory_space<hbm>>
    tpu.enqueue_indirect_dma source(%dma_start3A_11 : memref<1000000x16xf32, #tpu.memory_space<hbm>>) target(%dma_start3A_5 : memref<128x16xf32, #tpu.memory_space<vmem>>) offsets(%dma_start3A_8 : memref<128xi32, #tpu.memory_space<vmem>>) semaphore(%arg17 : memref<!tpu.dma_semaphore, #tpu.memory_space<semaphore_mem>>)
    %dma_start3A_12 = arith.constant 0 : i32
    %dma_start3A_13 = arith.constant 0 : i32
    %dma_start3A_14 = arith.constant 0 : i32
    %dma_start3A_15 = tpu.memref_slice %arg14[%dma_start3A_13, %dma_start3A_14] : memref<512x16xf32, #tpu.memory_space<vmem>> -> memref<128x16xf32, #tpu.memory_space<vmem>>
    %dma_start3A_16 = arith.constant 0 : i32
    %dma_start3A_17 = tpu.memref_slice %arg12[%dma_start3A_12, %dma_start3A_16] : memref<4x128xi32, #tpu.memory_space<vmem>> -> memref<1x128xi32, #tpu.memory_space<vmem>>
    %dma_start3A_18 = tpu.memref_squeeze %dma_start3A_17 : memref<1x128xi32, #tpu.memory_space<vmem>> -> memref<128xi32, #tpu.memory_space<vmem>>
    %dma_start3A_19 = arith.constant 0 : i32
    %dma_start3A_20 = arith.constant 0 : i32
    %dma_start3A_21 = tpu.memref_slice %arg6[%dma_start3A_19, %dma_start3A_20] : memref<1000000x16xf32, #tpu.memory_space<hbm>> -> memref<1000000x16xf32, #tpu.memory_space<hbm>>
    tpu.enqueue_indirect_dma source(%dma_start3A_21 : memref<1000000x16xf32, #tpu.memory_space<hbm>>) target(%dma_start3A_15 : memref<128x16xf32, #tpu.memory_space<vmem>>) offsets(%dma_start3A_18 : memref<128xi32, #tpu.memory_space<vmem>>) semaphore(%arg17 : memref<!tpu.dma_semaphore, #tpu.memory_space<semaphore_mem>>)
    %dma_start3A_22 = arith.constant 0 : i32
    %dma_start3A_23 = arith.constant 0 : i32
    %dma_start3A_24 = tpu.memref_slice %arg15[%dma_start3A_23] : memref<512xf32, #tpu.memory_space<vmem>> -> memref<128xf32, #tpu.memory_space<vmem>>
    %dma_start3A_25 = arith.constant 0 : i32
    %dma_start3A_26 = tpu.memref_slice %arg12[%dma_start3A_22, %dma_start3A_25] : memref<4x128xi32, #tpu.memory_space<vmem>> -> memref<1x128xi32, #tpu.memory_space<vmem>>
    %dma_start3A_27 = tpu.memref_squeeze %dma_start3A_26 : memref<1x128xi32, #tpu.memory_space<vmem>> -> memref<128xi32, #tpu.memory_space<vmem>>
    %dma_start3A_28 = arith.constant 0 : i32
    %dma_start3A_29 = tpu.memref_slice %arg4[%dma_start3A_28] : memref<1000000xf32, #tpu.memory_space<hbm>> -> memref<1000000xf32, #tpu.memory_space<hbm>>
    tpu.enqueue_indirect_dma source(%dma_start3A_29 : memref<1000000xf32, #tpu.memory_space<hbm>>) target(%dma_start3A_24 : memref<128xf32, #tpu.memory_space<vmem>>) offsets(%dma_start3A_27 : memref<128xi32, #tpu.memory_space<vmem>>) semaphore(%arg17 : memref<!tpu.dma_semaphore, #tpu.memory_space<semaphore_mem>>)
    %dma_start3A_30 = arith.constant 1 : i32
    %dma_start3A_31 = arith.constant 128 : i32
    %dma_start3A_32 = arith.constant 0 : i32
    %dma_start3A_33 = tpu.memref_slice %arg13[%dma_start3A_31, %dma_start3A_32] : memref<512x16xf32, #tpu.memory_space<vmem>> -> memref<128x16xf32, #tpu.memory_space<vmem>>
    %dma_start3A_34 = arith.constant 0 : i32
    %dma_start3A_35 = tpu.memref_slice %arg11[%dma_start3A_30, %dma_start3A_34] : memref<4x128xi32, #tpu.memory_space<vmem>> -> memref<1x128xi32, #tpu.memory_space<vmem>>
    %dma_start3A_36 = tpu.memref_squeeze %dma_start3A_35 : memref<1x128xi32, #tpu.memory_space<vmem>> -> memref<128xi32, #tpu.memory_space<vmem>>
    %dma_start3A_37 = arith.constant 0 : i32
    %dma_start3A_38 = arith.constant 0 : i32
    %dma_start3A_39 = tpu.memref_slice %arg5[%dma_start3A_37, %dma_start3A_38] : memref<1000000x16xf32, #tpu.memory_space<hbm>> -> memref<1000000x16xf32, #tpu.memory_space<hbm>>
    tpu.enqueue_indirect_dma source(%dma_start3A_39 : memref<1000000x16xf32, #tpu.memory_space<hbm>>) target(%dma_start3A_33 : memref<128x16xf32, #tpu.memory_space<vmem>>) offsets(%dma_start3A_36 : memref<128xi32, #tpu.memory_space<vmem>>) semaphore(%arg17 : memref<!tpu.dma_semaphore, #tpu.memory_space<semaphore_mem>>)
    %dma_start3A_40 = arith.constant 1 : i32
    %dma_start3A_41 = arith.constant 128 : i32
    %dma_start3A_42 = arith.constant 0 : i32
    %dma_start3A_43 = tpu.memref_slice %arg14[%dma_start3A_41, %dma_start3A_42] : memref<512x16xf32, #tpu.memory_space<vmem>> -> memref<128x16xf32, #tpu.memory_space<vmem>>
    %dma_start3A_44 = arith.constant 0 : i32
    %dma_start3A_45 = tpu.memref_slice %arg12[%dma_start3A_40, %dma_start3A_44] : memref<4x128xi32, #tpu.memory_space<vmem>> -> memref<1x128xi32, #tpu.memory_space<vmem>>
    %dma_start3A_46 = tpu.memref_squeeze %dma_start3A_45 : memref<1x128xi32, #tpu.memory_space<vmem>> -> memref<128xi32, #tpu.memory_space<vmem>>
    %dma_start3A_47 = arith.constant 0 : i32
    %dma_start3A_48 = arith.constant 0 : i32
    %dma_start3A_49 = tpu.memref_slice %arg6[%dma_start3A_47, %dma_start3A_48] : memref<1000000x16xf32, #tpu.memory_space<hbm>> -> memref<1000000x16xf32, #tpu.memory_space<hbm>>
    tpu.enqueue_indirect_dma source(%dma_start3A_49 : memref<1000000x16xf32, #tpu.memory_space<hbm>>) target(%dma_start3A_43 : memref<128x16xf32, #tpu.memory_space<vmem>>) offsets(%dma_start3A_46 : memref<128xi32, #tpu.memory_space<vmem>>) semaphore(%arg17 : memref<!tpu.dma_semaphore, #tpu.memory_space<semaphore_mem>>)
    %dma_start3A_50 = arith.constant 1 : i32
    %dma_start3A_51 = arith.constant 128 : i32
    %dma_start3A_52 = tpu.memref_slice %arg15[%dma_start3A_51] : memref<512xf32, #tpu.memory_space<vmem>> -> memref<128xf32, #tpu.memory_space<vmem>>
    %dma_start3A_53 = arith.constant 0 : i32
    %dma_start3A_54 = tpu.memref_slice %arg12[%dma_start3A_50, %dma_start3A_53] : memref<4x128xi32, #tpu.memory_space<vmem>> -> memref<1x128xi32, #tpu.memory_space<vmem>>
    %dma_start3A_55 = tpu.memref_squeeze %dma_start3A_54 : memref<1x128xi32, #tpu.memory_space<vmem>> -> memref<128xi32, #tpu.memory_space<vmem>>
    %dma_start3A_56 = arith.constant 0 : i32
    %dma_start3A_57 = tpu.memref_slice %arg4[%dma_start3A_56] : memref<1000000xf32, #tpu.memory_space<hbm>> -> memref<1000000xf32, #tpu.memory_space<hbm>>
    tpu.enqueue_indirect_dma source(%dma_start3A_57 : memref<1000000xf32, #tpu.memory_space<hbm>>) target(%dma_start3A_52 : memref<128xf32, #tpu.memory_space<vmem>>) offsets(%dma_start3A_55 : memref<128xi32, #tpu.memory_space<vmem>>) semaphore(%arg17 : memref<!tpu.dma_semaphore, #tpu.memory_space<semaphore_mem>>)
    %dma_start3A_58 = arith.constant 2 : i32
    %dma_start3A_59 = arith.constant 256 : i32
    %dma_start3A_60 = arith.constant 0 : i32
    %dma_start3A_61 = tpu.memref_slice %arg13[%dma_start3A_59, %dma_start3A_60] : memref<512x16xf32, #tpu.memory_space<vmem>> -> memref<128x16xf32, #tpu.memory_space<vmem>>
    %dma_start3A_62 = arith.constant 0 : i32
    %dma_start3A_63 = tpu.memref_slice %arg11[%dma_start3A_58, %dma_start3A_62] : memref<4x128xi32, #tpu.memory_space<vmem>> -> memref<1x128xi32, #tpu.memory_space<vmem>>
    %dma_start3A_64 = tpu.memref_squeeze %dma_start3A_63 : memref<1x128xi32, #tpu.memory_space<vmem>> -> memref<128xi32, #tpu.memory_space<vmem>>
    %dma_start3A_65 = arith.constant 0 : i32
    %dma_start3A_66 = arith.constant 0 : i32
    %dma_start3A_67 = tpu.memref_slice %arg5[%dma_start3A_65, %dma_start3A_66] : memref<1000000x16xf32, #tpu.memory_space<hbm>> -> memref<1000000x16xf32, #tpu.memory_space<hbm>>
    tpu.enqueue_indirect_dma source(%dma_start3A_67 : memref<1000000x16xf32, #tpu.memory_space<hbm>>) target(%dma_start3A_61 : memref<128x16xf32, #tpu.memory_space<vmem>>) offsets(%dma_start3A_64 : memref<128xi32, #tpu.memory_space<vmem>>) semaphore(%arg17 : memref<!tpu.dma_semaphore, #tpu.memory_space<semaphore_mem>>)
    %dma_start3A_68 = arith.constant 2 : i32
    %dma_start3A_69 = arith.constant 256 : i32
    %dma_start3A_70 = arith.constant 0 : i32
    %dma_start3A_71 = tpu.memref_slice %arg14[%dma_start3A_69, %dma_start3A_70] : memref<512x16xf32, #tpu.memory_space<vmem>> -> memref<128x16xf32, #tpu.memory_space<vmem>>
    %dma_start3A_72 = arith.constant 0 : i32
    %dma_start3A_73 = tpu.memref_slice %arg12[%dma_start3A_68, %dma_start3A_72] : memref<4x128xi32, #tpu.memory_space<vmem>> -> memref<1x128xi32, #tpu.memory_space<vmem>>
    %dma_start3A_74 = tpu.memref_squeeze %dma_start3A_73 : memref<1x128xi32, #tpu.memory_space<vmem>> -> memref<128xi32, #tpu.memory_space<vmem>>
    %dma_start3A_75 = arith.constant 0 : i32
    %dma_start3A_76 = arith.constant 0 : i32
    %dma_start3A_77 = tpu.memref_slice %arg6[%dma_start3A_75, %dma_start3A_76] : memref<1000000x16xf32, #tpu.memory_space<hbm>> -> memref<1000000x16xf32, #tpu.memory_space<hbm>>
    tpu.enqueue_indirect_dma source(%dma_start3A_77 : memref<1000000x16xf32, #tpu.memory_space<hbm>>) target(%dma_start3A_71 : memref<128x16xf32, #tpu.memory_space<vmem>>) offsets(%dma_start3A_74 : memref<128xi32, #tpu.memory_space<vmem>>) semaphore(%arg17 : memref<!tpu.dma_semaphore, #tpu.memory_space<semaphore_mem>>)
    %dma_start3A_78 = arith.constant 2 : i32
    %dma_start3A_79 = arith.constant 256 : i32
    %dma_start3A_80 = tpu.memref_slice %arg15[%dma_start3A_79] : memref<512xf32, #tpu.memory_space<vmem>> -> memref<128xf32, #tpu.memory_space<vmem>>
    %dma_start3A_81 = arith.constant 0 : i32
    %dma_start3A_82 = tpu.memref_slice %arg12[%dma_start3A_78, %dma_start3A_81] : memref<4x128xi32, #tpu.memory_space<vmem>> -> memref<1x128xi32, #tpu.memory_space<vmem>>
    %dma_start3A_83 = tpu.memref_squeeze %dma_start3A_82 : memref<1x128xi32, #tpu.memory_space<vmem>> -> memref<128xi32, #tpu.memory_space<vmem>>
    %dma_start3A_84 = arith.constant 0 : i32
    %dma_start3A_85 = tpu.memref_slice %arg4[%dma_start3A_84] : memref<1000000xf32, #tpu.memory_space<hbm>> -> memref<1000000xf32, #tpu.memory_space<hbm>>
    tpu.enqueue_indirect_dma source(%dma_start3A_85 : memref<1000000xf32, #tpu.memory_space<hbm>>) target(%dma_start3A_80 : memref<128xf32, #tpu.memory_space<vmem>>) offsets(%dma_start3A_83 : memref<128xi32, #tpu.memory_space<vmem>>) semaphore(%arg17 : memref<!tpu.dma_semaphore, #tpu.memory_space<semaphore_mem>>)
    %dma_start3A_86 = arith.constant 3 : i32
    %dma_start3A_87 = arith.constant 384 : i32
    %dma_start3A_88 = arith.constant 0 : i32
    %dma_start3A_89 = tpu.memref_slice %arg13[%dma_start3A_87, %dma_start3A_88] : memref<512x16xf32, #tpu.memory_space<vmem>> -> memref<128x16xf32, #tpu.memory_space<vmem>>
    %dma_start3A_90 = arith.constant 0 : i32
    %dma_start3A_91 = tpu.memref_slice %arg11[%dma_start3A_86, %dma_start3A_90] : memref<4x128xi32, #tpu.memory_space<vmem>> -> memref<1x128xi32, #tpu.memory_space<vmem>>
    %dma_start3A_92 = tpu.memref_squeeze %dma_start3A_91 : memref<1x128xi32, #tpu.memory_space<vmem>> -> memref<128xi32, #tpu.memory_space<vmem>>
    %dma_start3A_93 = arith.constant 0 : i32
    %dma_start3A_94 = arith.constant 0 : i32
    %dma_start3A_95 = tpu.memref_slice %arg5[%dma_start3A_93, %dma_start3A_94] : memref<1000000x16xf32, #tpu.memory_space<hbm>> -> memref<1000000x16xf32, #tpu.memory_space<hbm>>
    tpu.enqueue_indirect_dma source(%dma_start3A_95 : memref<1000000x16xf32, #tpu.memory_space<hbm>>) target(%dma_start3A_89 : memref<128x16xf32, #tpu.memory_space<vmem>>) offsets(%dma_start3A_92 : memref<128xi32, #tpu.memory_space<vmem>>) semaphore(%arg17 : memref<!tpu.dma_semaphore, #tpu.memory_space<semaphore_mem>>)
    %dma_start3A_96 = arith.constant 3 : i32
    %dma_start3A_97 = arith.constant 384 : i32
    %dma_start3A_98 = arith.constant 0 : i32
    %dma_start3A_99 = tpu.memref_slice %arg14[%dma_start3A_97, %dma_start3A_98] : memref<512x16xf32, #tpu.memory_space<vmem>> -> memref<128x16xf32, #tpu.memory_space<vmem>>
    %dma_start3A_100 = arith.constant 0 : i32
    %dma_start3A_101 = tpu.memref_slice %arg12[%dma_start3A_96, %dma_start3A_100] : memref<4x128xi32, #tpu.memory_space<vmem>> -> memref<1x128xi32, #tpu.memory_space<vmem>>
    %dma_start3A_102 = tpu.memref_squeeze %dma_start3A_101 : memref<1x128xi32, #tpu.memory_space<vmem>> -> memref<128xi32, #tpu.memory_space<vmem>>
    %dma_start3A_103 = arith.constant 0 : i32
    %dma_start3A_104 = arith.constant 0 : i32
    %dma_start3A_105 = tpu.memref_slice %arg6[%dma_start3A_103, %dma_start3A_104] : memref<1000000x16xf32, #tpu.memory_space<hbm>> -> memref<1000000x16xf32, #tpu.memory_space<hbm>>
    tpu.enqueue_indirect_dma source(%dma_start3A_105 : memref<1000000x16xf32, #tpu.memory_space<hbm>>) target(%dma_start3A_99 : memref<128x16xf32, #tpu.memory_space<vmem>>) offsets(%dma_start3A_102 : memref<128xi32, #tpu.memory_space<vmem>>) semaphore(%arg17 : memref<!tpu.dma_semaphore, #tpu.memory_space<semaphore_mem>>)
    %dma_start3A_106 = arith.constant 3 : i32
    %dma_start3A_107 = arith.constant 384 : i32
    %dma_start3A_108 = tpu.memref_slice %arg15[%dma_start3A_107] : memref<512xf32, #tpu.memory_space<vmem>> -> memref<128xf32, #tpu.memory_space<vmem>>
    %dma_start3A_109 = arith.constant 0 : i32
    %dma_start3A_110 = tpu.memref_slice %arg12[%dma_start3A_106, %dma_start3A_109] : memref<4x128xi32, #tpu.memory_space<vmem>> -> memref<1x128xi32, #tpu.memory_space<vmem>>
    %dma_start3A_111 = tpu.memref_squeeze %dma_start3A_110 : memref<1x128xi32, #tpu.memory_space<vmem>> -> memref<128xi32, #tpu.memory_space<vmem>>
    %dma_start3A_112 = arith.constant 0 : i32
    %dma_start3A_113 = tpu.memref_slice %arg4[%dma_start3A_112] : memref<1000000xf32, #tpu.memory_space<hbm>> -> memref<1000000xf32, #tpu.memory_space<hbm>>
    tpu.enqueue_indirect_dma source(%dma_start3A_113 : memref<1000000xf32, #tpu.memory_space<hbm>>) target(%dma_start3A_108 : memref<128xf32, #tpu.memory_space<vmem>>) offsets(%dma_start3A_111 : memref<128xi32, #tpu.memory_space<vmem>>) semaphore(%arg17 : memref<!tpu.dma_semaphore, #tpu.memory_space<semaphore_mem>>)
    %dma_wait3A = arith.constant 0 : i32
    %dma_wait3A_114 = arith.constant 0 : i32
    %dma_wait3A_115 = arith.constant 0 : i32
    %dma_wait3A_116 = tpu.memref_slice %arg13[%dma_wait3A_114, %dma_wait3A_115] : memref<512x16xf32, #tpu.memory_space<vmem>> -> memref<128x16xf32, #tpu.memory_space<vmem>>
    %dma_wait3A_117 = arith.constant 0 : i32
    %dma_wait3A_118 = tpu.memref_slice %arg11[%dma_wait3A, %dma_wait3A_117] : memref<4x128xi32, #tpu.memory_space<vmem>> -> memref<1x128xi32, #tpu.memory_space<vmem>>
    %dma_wait3A_119 = tpu.memref_squeeze %dma_wait3A_118 : memref<1x128xi32, #tpu.memory_space<vmem>> -> memref<128xi32, #tpu.memory_space<vmem>>
    %dma_wait3A_120 = arith.constant 0 : i32
    %dma_wait3A_121 = arith.constant 0 : i32
    %dma_wait3A_122 = tpu.memref_slice %arg5[%dma_wait3A_120, %dma_wait3A_121] : memref<1000000x16xf32, #tpu.memory_space<hbm>> -> memref<1000000x16xf32, #tpu.memory_space<hbm>>
    tpu.wait_indirect_dma semaphore(%arg17 : memref<!tpu.dma_semaphore, #tpu.memory_space<semaphore_mem>>) src(%dma_wait3A_122 : memref<1000000x16xf32, #tpu.memory_space<hbm>>) dst(%dma_wait3A_116 : memref<128x16xf32, #tpu.memory_space<vmem>>)
    %dma_wait3A_123 = arith.constant 0 : i32
    %dma_wait3A_124 = arith.constant 0 : i32
    %dma_wait3A_125 = arith.constant 0 : i32
    %dma_wait3A_126 = tpu.memref_slice %arg14[%dma_wait3A_124, %dma_wait3A_125] : memref<512x16xf32, #tpu.memory_space<vmem>> -> memref<128x16xf32, #tpu.memory_space<vmem>>
    %dma_wait3A_127 = arith.constant 0 : i32
    %dma_wait3A_128 = tpu.memref_slice %arg12[%dma_wait3A_123, %dma_wait3A_127] : memref<4x128xi32, #tpu.memory_space<vmem>> -> memref<1x128xi32, #tpu.memory_space<vmem>>
    %dma_wait3A_129 = tpu.memref_squeeze %dma_wait3A_128 : memref<1x128xi32, #tpu.memory_space<vmem>> -> memref<128xi32, #tpu.memory_space<vmem>>
    %dma_wait3A_130 = arith.constant 0 : i32
    %dma_wait3A_131 = arith.constant 0 : i32
    %dma_wait3A_132 = tpu.memref_slice %arg6[%dma_wait3A_130, %dma_wait3A_131] : memref<1000000x16xf32, #tpu.memory_space<hbm>> -> memref<1000000x16xf32, #tpu.memory_space<hbm>>
    tpu.wait_indirect_dma semaphore(%arg17 : memref<!tpu.dma_semaphore, #tpu.memory_space<semaphore_mem>>) src(%dma_wait3A_132 : memref<1000000x16xf32, #tpu.memory_space<hbm>>) dst(%dma_wait3A_126 : memref<128x16xf32, #tpu.memory_space<vmem>>)
    %dma_wait3A_133 = arith.constant 0 : i32
    %dma_wait3A_134 = arith.constant 0 : i32
    %dma_wait3A_135 = tpu.memref_slice %arg15[%dma_wait3A_134] : memref<512xf32, #tpu.memory_space<vmem>> -> memref<128xf32, #tpu.memory_space<vmem>>
    %dma_wait3A_136 = arith.constant 0 : i32
    %dma_wait3A_137 = tpu.memref_slice %arg12[%dma_wait3A_133, %dma_wait3A_136] : memref<4x128xi32, #tpu.memory_space<vmem>> -> memref<1x128xi32, #tpu.memory_space<vmem>>
    %dma_wait3A_138 = tpu.memref_squeeze %dma_wait3A_137 : memref<1x128xi32, #tpu.memory_space<vmem>> -> memref<128xi32, #tpu.memory_space<vmem>>
    %dma_wait3A_139 = arith.constant 0 : i32
    %dma_wait3A_140 = tpu.memref_slice %arg4[%dma_wait3A_139] : memref<1000000xf32, #tpu.memory_space<hbm>> -> memref<1000000xf32, #tpu.memory_space<hbm>>
    tpu.wait_indirect_dma semaphore(%arg17 : memref<!tpu.dma_semaphore, #tpu.memory_space<semaphore_mem>>) src(%dma_wait3A_140 : memref<1000000xf32, #tpu.memory_space<hbm>>) dst(%dma_wait3A_135 : memref<128xf32, #tpu.memory_space<vmem>>)
    %dma_wait3A_141 = arith.constant 1 : i32
    %dma_wait3A_142 = arith.constant 128 : i32
    %dma_wait3A_143 = arith.constant 0 : i32
    %dma_wait3A_144 = tpu.memref_slice %arg13[%dma_wait3A_142, %dma_wait3A_143] : memref<512x16xf32, #tpu.memory_space<vmem>> -> memref<128x16xf32, #tpu.memory_space<vmem>>
    %dma_wait3A_145 = arith.constant 0 : i32
    %dma_wait3A_146 = tpu.memref_slice %arg11[%dma_wait3A_141, %dma_wait3A_145] : memref<4x128xi32, #tpu.memory_space<vmem>> -> memref<1x128xi32, #tpu.memory_space<vmem>>
    %dma_wait3A_147 = tpu.memref_squeeze %dma_wait3A_146 : memref<1x128xi32, #tpu.memory_space<vmem>> -> memref<128xi32, #tpu.memory_space<vmem>>
    %dma_wait3A_148 = arith.constant 0 : i32
    %dma_wait3A_149 = arith.constant 0 : i32
    %dma_wait3A_150 = tpu.memref_slice %arg5[%dma_wait3A_148, %dma_wait3A_149] : memref<1000000x16xf32, #tpu.memory_space<hbm>> -> memref<1000000x16xf32, #tpu.memory_space<hbm>>
    tpu.wait_indirect_dma semaphore(%arg17 : memref<!tpu.dma_semaphore, #tpu.memory_space<semaphore_mem>>) src(%dma_wait3A_150 : memref<1000000x16xf32, #tpu.memory_space<hbm>>) dst(%dma_wait3A_144 : memref<128x16xf32, #tpu.memory_space<vmem>>)
    %dma_wait3A_151 = arith.constant 1 : i32
    %dma_wait3A_152 = arith.constant 128 : i32
    %dma_wait3A_153 = arith.constant 0 : i32
    %dma_wait3A_154 = tpu.memref_slice %arg14[%dma_wait3A_152, %dma_wait3A_153] : memref<512x16xf32, #tpu.memory_space<vmem>> -> memref<128x16xf32, #tpu.memory_space<vmem>>
    %dma_wait3A_155 = arith.constant 0 : i32
    %dma_wait3A_156 = tpu.memref_slice %arg12[%dma_wait3A_151, %dma_wait3A_155] : memref<4x128xi32, #tpu.memory_space<vmem>> -> memref<1x128xi32, #tpu.memory_space<vmem>>
    %dma_wait3A_157 = tpu.memref_squeeze %dma_wait3A_156 : memref<1x128xi32, #tpu.memory_space<vmem>> -> memref<128xi32, #tpu.memory_space<vmem>>
    %dma_wait3A_158 = arith.constant 0 : i32
    %dma_wait3A_159 = arith.constant 0 : i32
    %dma_wait3A_160 = tpu.memref_slice %arg6[%dma_wait3A_158, %dma_wait3A_159] : memref<1000000x16xf32, #tpu.memory_space<hbm>> -> memref<1000000x16xf32, #tpu.memory_space<hbm>>
    tpu.wait_indirect_dma semaphore(%arg17 : memref<!tpu.dma_semaphore, #tpu.memory_space<semaphore_mem>>) src(%dma_wait3A_160 : memref<1000000x16xf32, #tpu.memory_space<hbm>>) dst(%dma_wait3A_154 : memref<128x16xf32, #tpu.memory_space<vmem>>)
    %dma_wait3A_161 = arith.constant 1 : i32
    %dma_wait3A_162 = arith.constant 128 : i32
    %dma_wait3A_163 = tpu.memref_slice %arg15[%dma_wait3A_162] : memref<512xf32, #tpu.memory_space<vmem>> -> memref<128xf32, #tpu.memory_space<vmem>>
    %dma_wait3A_164 = arith.constant 0 : i32
    %dma_wait3A_165 = tpu.memref_slice %arg12[%dma_wait3A_161, %dma_wait3A_164] : memref<4x128xi32, #tpu.memory_space<vmem>> -> memref<1x128xi32, #tpu.memory_space<vmem>>
    %dma_wait3A_166 = tpu.memref_squeeze %dma_wait3A_165 : memref<1x128xi32, #tpu.memory_space<vmem>> -> memref<128xi32, #tpu.memory_space<vmem>>
    %dma_wait3A_167 = arith.constant 0 : i32
    %dma_wait3A_168 = tpu.memref_slice %arg4[%dma_wait3A_167] : memref<1000000xf32, #tpu.memory_space<hbm>> -> memref<1000000xf32, #tpu.memory_space<hbm>>
    tpu.wait_indirect_dma semaphore(%arg17 : memref<!tpu.dma_semaphore, #tpu.memory_space<semaphore_mem>>) src(%dma_wait3A_168 : memref<1000000xf32, #tpu.memory_space<hbm>>) dst(%dma_wait3A_163 : memref<128xf32, #tpu.memory_space<vmem>>)
    %dma_wait3A_169 = arith.constant 2 : i32
    %dma_wait3A_170 = arith.constant 256 : i32
    %dma_wait3A_171 = arith.constant 0 : i32
    %dma_wait3A_172 = tpu.memref_slice %arg13[%dma_wait3A_170, %dma_wait3A_171] : memref<512x16xf32, #tpu.memory_space<vmem>> -> memref<128x16xf32, #tpu.memory_space<vmem>>
    %dma_wait3A_173 = arith.constant 0 : i32
    %dma_wait3A_174 = tpu.memref_slice %arg11[%dma_wait3A_169, %dma_wait3A_173] : memref<4x128xi32, #tpu.memory_space<vmem>> -> memref<1x128xi32, #tpu.memory_space<vmem>>
    %dma_wait3A_175 = tpu.memref_squeeze %dma_wait3A_174 : memref<1x128xi32, #tpu.memory_space<vmem>> -> memref<128xi32, #tpu.memory_space<vmem>>
    %dma_wait3A_176 = arith.constant 0 : i32
    %dma_wait3A_177 = arith.constant 0 : i32
    %dma_wait3A_178 = tpu.memref_slice %arg5[%dma_wait3A_176, %dma_wait3A_177] : memref<1000000x16xf32, #tpu.memory_space<hbm>> -> memref<1000000x16xf32, #tpu.memory_space<hbm>>
    tpu.wait_indirect_dma semaphore(%arg17 : memref<!tpu.dma_semaphore, #tpu.memory_space<semaphore_mem>>) src(%dma_wait3A_178 : memref<1000000x16xf32, #tpu.memory_space<hbm>>) dst(%dma_wait3A_172 : memref<128x16xf32, #tpu.memory_space<vmem>>)
    %dma_wait3A_179 = arith.constant 2 : i32
    %dma_wait3A_180 = arith.constant 256 : i32
    %dma_wait3A_181 = arith.constant 0 : i32
    %dma_wait3A_182 = tpu.memref_slice %arg14[%dma_wait3A_180, %dma_wait3A_181] : memref<512x16xf32, #tpu.memory_space<vmem>> -> memref<128x16xf32, #tpu.memory_space<vmem>>
    %dma_wait3A_183 = arith.constant 0 : i32
    %dma_wait3A_184 = tpu.memref_slice %arg12[%dma_wait3A_179, %dma_wait3A_183] : memref<4x128xi32, #tpu.memory_space<vmem>> -> memref<1x128xi32, #tpu.memory_space<vmem>>
    %dma_wait3A_185 = tpu.memref_squeeze %dma_wait3A_184 : memref<1x128xi32, #tpu.memory_space<vmem>> -> memref<128xi32, #tpu.memory_space<vmem>>
    %dma_wait3A_186 = arith.constant 0 : i32
    %dma_wait3A_187 = arith.constant 0 : i32
    %dma_wait3A_188 = tpu.memref_slice %arg6[%dma_wait3A_186, %dma_wait3A_187] : memref<1000000x16xf32, #tpu.memory_space<hbm>> -> memref<1000000x16xf32, #tpu.memory_space<hbm>>
    tpu.wait_indirect_dma semaphore(%arg17 : memref<!tpu.dma_semaphore, #tpu.memory_space<semaphore_mem>>) src(%dma_wait3A_188 : memref<1000000x16xf32, #tpu.memory_space<hbm>>) dst(%dma_wait3A_182 : memref<128x16xf32, #tpu.memory_space<vmem>>)
    %dma_wait3A_189 = arith.constant 2 : i32
    %dma_wait3A_190 = arith.constant 256 : i32
    %dma_wait3A_191 = tpu.memref_slice %arg15[%dma_wait3A_190] : memref<512xf32, #tpu.memory_space<vmem>> -> memref<128xf32, #tpu.memory_space<vmem>>
    %dma_wait3A_192 = arith.constant 0 : i32
    %dma_wait3A_193 = tpu.memref_slice %arg12[%dma_wait3A_189, %dma_wait3A_192] : memref<4x128xi32, #tpu.memory_space<vmem>> -> memref<1x128xi32, #tpu.memory_space<vmem>>
    %dma_wait3A_194 = tpu.memref_squeeze %dma_wait3A_193 : memref<1x128xi32, #tpu.memory_space<vmem>> -> memref<128xi32, #tpu.memory_space<vmem>>
    %dma_wait3A_195 = arith.constant 0 : i32
    %dma_wait3A_196 = tpu.memref_slice %arg4[%dma_wait3A_195] : memref<1000000xf32, #tpu.memory_space<hbm>> -> memref<1000000xf32, #tpu.memory_space<hbm>>
    tpu.wait_indirect_dma semaphore(%arg17 : memref<!tpu.dma_semaphore, #tpu.memory_space<semaphore_mem>>) src(%dma_wait3A_196 : memref<1000000xf32, #tpu.memory_space<hbm>>) dst(%dma_wait3A_191 : memref<128xf32, #tpu.memory_space<vmem>>)
    %dma_wait3A_197 = arith.constant 3 : i32
    %dma_wait3A_198 = arith.constant 384 : i32
    %dma_wait3A_199 = arith.constant 0 : i32
    %dma_wait3A_200 = tpu.memref_slice %arg13[%dma_wait3A_198, %dma_wait3A_199] : memref<512x16xf32, #tpu.memory_space<vmem>> -> memref<128x16xf32, #tpu.memory_space<vmem>>
    %dma_wait3A_201 = arith.constant 0 : i32
    %dma_wait3A_202 = tpu.memref_slice %arg11[%dma_wait3A_197, %dma_wait3A_201] : memref<4x128xi32, #tpu.memory_space<vmem>> -> memref<1x128xi32, #tpu.memory_space<vmem>>
    %dma_wait3A_203 = tpu.memref_squeeze %dma_wait3A_202 : memref<1x128xi32, #tpu.memory_space<vmem>> -> memref<128xi32, #tpu.memory_space<vmem>>
    %dma_wait3A_204 = arith.constant 0 : i32
    %dma_wait3A_205 = arith.constant 0 : i32
    %dma_wait3A_206 = tpu.memref_slice %arg5[%dma_wait3A_204, %dma_wait3A_205] : memref<1000000x16xf32, #tpu.memory_space<hbm>> -> memref<1000000x16xf32, #tpu.memory_space<hbm>>
    tpu.wait_indirect_dma semaphore(%arg17 : memref<!tpu.dma_semaphore, #tpu.memory_space<semaphore_mem>>) src(%dma_wait3A_206 : memref<1000000x16xf32, #tpu.memory_space<hbm>>) dst(%dma_wait3A_200 : memref<128x16xf32, #tpu.memory_space<vmem>>)
    %dma_wait3A_207 = arith.constant 3 : i32
    %dma_wait3A_208 = arith.constant 384 : i32
    %dma_wait3A_209 = arith.constant 0 : i32
    %dma_wait3A_210 = tpu.memref_slice %arg14[%dma_wait3A_208, %dma_wait3A_209] : memref<512x16xf32, #tpu.memory_space<vmem>> -> memref<128x16xf32, #tpu.memory_space<vmem>>
    %dma_wait3A_211 = arith.constant 0 : i32
    %dma_wait3A_212 = tpu.memref_slice %arg12[%dma_wait3A_207, %dma_wait3A_211] : memref<4x128xi32, #tpu.memory_space<vmem>> -> memref<1x128xi32, #tpu.memory_space<vmem>>
    %dma_wait3A_213 = tpu.memref_squeeze %dma_wait3A_212 : memref<1x128xi32, #tpu.memory_space<vmem>> -> memref<128xi32, #tpu.memory_space<vmem>>
    %dma_wait3A_214 = arith.constant 0 : i32
    %dma_wait3A_215 = arith.constant 0 : i32
    %dma_wait3A_216 = tpu.memref_slice %arg6[%dma_wait3A_214, %dma_wait3A_215] : memref<1000000x16xf32, #tpu.memory_space<hbm>> -> memref<1000000x16xf32, #tpu.memory_space<hbm>>
    tpu.wait_indirect_dma semaphore(%arg17 : memref<!tpu.dma_semaphore, #tpu.memory_space<semaphore_mem>>) src(%dma_wait3A_216 : memref<1000000x16xf32, #tpu.memory_space<hbm>>) dst(%dma_wait3A_210 : memref<128x16xf32, #tpu.memory_space<vmem>>)
    %dma_wait3A_217 = arith.constant 3 : i32
    %dma_wait3A_218 = arith.constant 384 : i32
    %dma_wait3A_219 = tpu.memref_slice %arg15[%dma_wait3A_218] : memref<512xf32, #tpu.memory_space<vmem>> -> memref<128xf32, #tpu.memory_space<vmem>>
    %dma_wait3A_220 = arith.constant 0 : i32
    %dma_wait3A_221 = tpu.memref_slice %arg12[%dma_wait3A_217, %dma_wait3A_220] : memref<4x128xi32, #tpu.memory_space<vmem>> -> memref<1x128xi32, #tpu.memory_space<vmem>>
    %dma_wait3A_222 = tpu.memref_squeeze %dma_wait3A_221 : memref<1x128xi32, #tpu.memory_space<vmem>> -> memref<128xi32, #tpu.memory_space<vmem>>
    %dma_wait3A_223 = arith.constant 0 : i32
    %dma_wait3A_224 = tpu.memref_slice %arg4[%dma_wait3A_223] : memref<1000000xf32, #tpu.memory_space<hbm>> -> memref<1000000xf32, #tpu.memory_space<hbm>>
    tpu.wait_indirect_dma semaphore(%arg17 : memref<!tpu.dma_semaphore, #tpu.memory_space<semaphore_mem>>) src(%dma_wait3A_224 : memref<1000000xf32, #tpu.memory_space<hbm>>) dst(%dma_wait3A_219 : memref<128xf32, #tpu.memory_space<vmem>>)
    %iota3A = tpu.iota {dimensions = array<i32: 0>} : vector<16xi32>
    %scan3A = arith.constant 0 : i32
    %scan3A_225 = arith.constant 0 : i32
    %scan3A_226 = arith.constant 32 : i32
    %scan3A_227 = arith.addi %scan3A_225, %scan3A_226 : i32
    %scan3A_228 = arith.constant 1 : i32
    scf.for %scan3A_230 = %scan3A_225 to %scan3A_227 step %scan3A_228  : i32 {
      %mul3A_231 = arith.constant 16 : i32
      %mul3A_232 = arith.muli %scan3A_230, %mul3A_231 : i32
      %add3A_233 = vector.broadcast %mul3A_232 : i32 to vector<16xi32>
      %add3A_234 = arith.addi %add3A_233, %iota3A : vector<16xi32>
      %mul3A_235 = arith.constant 16 : i32
      %mul3A_236 = arith.muli %scan3A_230, %mul3A_235 : i32
      %get3A = arith.index_cast %mul3A_236 : i32 to index
      %get3A_237 = tpu.vector_load %arg15[%get3A] {strides = array<i32>} : memref<512xf32, #tpu.memory_space<vmem>>, vector<16xf32>,
      %broadcast_in_dim3A = arith.constant 0 : i32
      %broadcast_in_dim3A_238 = vector.broadcast %broadcast_in_dim3A : i32 to vector<16xi32>
      %gather3A = tpu.vector_load_idx %arg13[%add3A_234, %broadcast_in_dim3A_238] : memref<512x16xf32, #tpu.memory_space<vmem>>[vector<16xi32>, vector<16xi32>], vector<16xf32>,
      %gather3A_239 = tpu.vector_load_idx %arg14[%add3A_234, %broadcast_in_dim3A_238] : memref<512x16xf32, #tpu.memory_space<vmem>>[vector<16xi32>, vector<16xi32>], vector<16xf32>,
      %mul3A_240 = arith.mulf %gather3A, %gather3A_239 : vector<16xf32>
      %add3A_241 = arith.addf %get3A_237, %mul3A_240 : vector<16xf32>
      %broadcast_in_dim3A_242 = arith.constant 1 : i32
      %broadcast_in_dim3A_243 = vector.broadcast %broadcast_in_dim3A_242 : i32 to vector<16xi32>
      %gather3A_244 = tpu.vector_load_idx %arg13[%add3A_234, %broadcast_in_dim3A_243] : memref<512x16xf32, #tpu.memory_space<vmem>>[vector<16xi32>, vector<16xi32>], vector<16xf32>,
      %gather3A_245 = tpu.vector_load_idx %arg14[%add3A_234, %broadcast_in_dim3A_243] : memref<512x16xf32, #tpu.memory_space<vmem>>[vector<16xi32>, vector<16xi32>], vector<16xf32>,
      %mul3A_246 = arith.mulf %gather3A_244, %gather3A_245 : vector<16xf32>
      %add3A_247 = arith.addf %add3A_241, %mul3A_246 : vector<16xf32>
      %broadcast_in_dim3A_248 = arith.constant 2 : i32
      %broadcast_in_dim3A_249 = vector.broadcast %broadcast_in_dim3A_248 : i32 to vector<16xi32>
      %gather3A_250 = tpu.vector_load_idx %arg13[%add3A_234, %broadcast_in_dim3A_249] : memref<512x16xf32, #tpu.memory_space<vmem>>[vector<16xi32>, vector<16xi32>], vector<16xf32>,
      %gather3A_251 = tpu.vector_load_idx %arg14[%add3A_234, %broadcast_in_dim3A_249] : memref<512x16xf32, #tpu.memory_space<vmem>>[vector<16xi32>, vector<16xi32>], vector<16xf32>,
      %mul3A_252 = arith.mulf %gather3A_250, %gather3A_251 : vector<16xf32>
      %add3A_253 = arith.addf %add3A_247, %mul3A_252 : vector<16xf32>
      %broadcast_in_dim3A_254 = arith.constant 3 : i32
      %broadcast_in_dim3A_255 = vector.broadcast %broadcast_in_dim3A_254 : i32 to vector<16xi32>
      %gather3A_256 = tpu.vector_load_idx %arg13[%add3A_234, %broadcast_in_dim3A_255] : memref<512x16xf32, #tpu.memory_space<vmem>>[vector<16xi32>, vector<16xi32>], vector<16xf32>,
      %gather3A_257 = tpu.vector_load_idx %arg14[%add3A_234, %broadcast_in_dim3A_255] : memref<512x16xf32, #tpu.memory_space<vmem>>[vector<16xi32>, vector<16xi32>], vector<16xf32>,
      %mul3A_258 = arith.mulf %gather3A_256, %gather3A_257 : vector<16xf32>
      %add3A_259 = arith.addf %add3A_253, %mul3A_258 : vector<16xf32>
      %broadcast_in_dim3A_260 = arith.constant 4 : i32
      %broadcast_in_dim3A_261 = vector.broadcast %broadcast_in_dim3A_260 : i32 to vector<16xi32>
      %gather3A_262 = tpu.vector_load_idx %arg13[%add3A_234, %broadcast_in_dim3A_261] : memref<512x16xf32, #tpu.memory_space<vmem>>[vector<16xi32>, vector<16xi32>], vector<16xf32>,
      %gather3A_263 = tpu.vector_load_idx %arg14[%add3A_234, %broadcast_in_dim3A_261] : memref<512x16xf32, #tpu.memory_space<vmem>>[vector<16xi32>, vector<16xi32>], vector<16xf32>,
      %mul3A_264 = arith.mulf %gather3A_262, %gather3A_263 : vector<16xf32>
      %add3A_265 = arith.addf %add3A_259, %mul3A_264 : vector<16xf32>
      %broadcast_in_dim3A_266 = arith.constant 5 : i32
      %broadcast_in_dim3A_267 = vector.broadcast %broadcast_in_dim3A_266 : i32 to vector<16xi32>
      %gather3A_268 = tpu.vector_load_idx %arg13[%add3A_234, %broadcast_in_dim3A_267] : memref<512x16xf32, #tpu.memory_space<vmem>>[vector<16xi32>, vector<16xi32>], vector<16xf32>,
      %gather3A_269 = tpu.vector_load_idx %arg14[%add3A_234, %broadcast_in_dim3A_267] : memref<512x16xf32, #tpu.memory_space<vmem>>[vector<16xi32>, vector<16xi32>], vector<16xf32>,
      %mul3A_270 = arith.mulf %gather3A_268, %gather3A_269 : vector<16xf32>
      %add3A_271 = arith.addf %add3A_265, %mul3A_270 : vector<16xf32>
      %broadcast_in_dim3A_272 = arith.constant 6 : i32
      %broadcast_in_dim3A_273 = vector.broadcast %broadcast_in_dim3A_272 : i32 to vector<16xi32>
      %gather3A_274 = tpu.vector_load_idx %arg13[%add3A_234, %broadcast_in_dim3A_273] : memref<512x16xf32, #tpu.memory_space<vmem>>[vector<16xi32>, vector<16xi32>], vector<16xf32>,
      %gather3A_275 = tpu.vector_load_idx %arg14[%add3A_234, %broadcast_in_dim3A_273] : memref<512x16xf32, #tpu.memory_space<vmem>>[vector<16xi32>, vector<16xi32>], vector<16xf32>,
      %mul3A_276 = arith.mulf %gather3A_274, %gather3A_275 : vector<16xf32>
      %add3A_277 = arith.addf %add3A_271, %mul3A_276 : vector<16xf32>
      %broadcast_in_dim3A_278 = arith.constant 7 : i32
      %broadcast_in_dim3A_279 = vector.broadcast %broadcast_in_dim3A_278 : i32 to vector<16xi32>
      %gather3A_280 = tpu.vector_load_idx %arg13[%add3A_234, %broadcast_in_dim3A_279] : memref<512x16xf32, #tpu.memory_space<vmem>>[vector<16xi32>, vector<16xi32>], vector<16xf32>,
      %gather3A_281 = tpu.vector_load_idx %arg14[%add3A_234, %broadcast_in_dim3A_279] : memref<512x16xf32, #tpu.memory_space<vmem>>[vector<16xi32>, vector<16xi32>], vector<16xf32>,
      %mul3A_282 = arith.mulf %gather3A_280, %gather3A_281 : vector<16xf32>
      %add3A_283 = arith.addf %add3A_277, %mul3A_282 : vector<16xf32>
      %broadcast_in_dim3A_284 = arith.constant 8 : i32
      %broadcast_in_dim3A_285 = vector.broadcast %broadcast_in_dim3A_284 : i32 to vector<16xi32>
      %gather3A_286 = tpu.vector_load_idx %arg13[%add3A_234, %broadcast_in_dim3A_285] : memref<512x16xf32, #tpu.memory_space<vmem>>[vector<16xi32>, vector<16xi32>], vector<16xf32>,
      %gather3A_287 = tpu.vector_load_idx %arg14[%add3A_234, %broadcast_in_dim3A_285] : memref<512x16xf32, #tpu.memory_space<vmem>>[vector<16xi32>, vector<16xi32>], vector<16xf32>,
      %mul3A_288 = arith.mulf %gather3A_286, %gather3A_287 : vector<16xf32>
      %add3A_289 = arith.addf %add3A_283, %mul3A_288 : vector<16xf32>
      %broadcast_in_dim3A_290 = arith.constant 9 : i32
      %broadcast_in_dim3A_291 = vector.broadcast %broadcast_in_dim3A_290 : i32 to vector<16xi32>
      %gather3A_292 = tpu.vector_load_idx %arg13[%add3A_234, %broadcast_in_dim3A_291] : memref<512x16xf32, #tpu.memory_space<vmem>>[vector<16xi32>, vector<16xi32>], vector<16xf32>,
      %gather3A_293 = tpu.vector_load_idx %arg14[%add3A_234, %broadcast_in_dim3A_291] : memref<512x16xf32, #tpu.memory_space<vmem>>[vector<16xi32>, vector<16xi32>], vector<16xf32>,
      %mul3A_294 = arith.mulf %gather3A_292, %gather3A_293 : vector<16xf32>
      %add3A_295 = arith.addf %add3A_289, %mul3A_294 : vector<16xf32>
      %broadcast_in_dim3A_296 = arith.constant 10 : i32
      %broadcast_in_dim3A_297 = vector.broadcast %broadcast_in_dim3A_296 : i32 to vector<16xi32>
      %gather3A_298 = tpu.vector_load_idx %arg13[%add3A_234, %broadcast_in_dim3A_297] : memref<512x16xf32, #tpu.memory_space<vmem>>[vector<16xi32>, vector<16xi32>], vector<16xf32>,
      %gather3A_299 = tpu.vector_load_idx %arg14[%add3A_234, %broadcast_in_dim3A_297] : memref<512x16xf32, #tpu.memory_space<vmem>>[vector<16xi32>, vector<16xi32>], vector<16xf32>,
      %mul3A_300 = arith.mulf %gather3A_298, %gather3A_299 : vector<16xf32>
      %add3A_301 = arith.addf %add3A_295, %mul3A_300 : vector<16xf32>
      %broadcast_in_dim3A_302 = arith.constant 11 : i32
      %broadcast_in_dim3A_303 = vector.broadcast %broadcast_in_dim3A_302 : i32 to vector<16xi32>
      %gather3A_304 = tpu.vector_load_idx %arg13[%add3A_234, %broadcast_in_dim3A_303] : memref<512x16xf32, #tpu.memory_space<vmem>>[vector<16xi32>, vector<16xi32>], vector<16xf32>,
      %gather3A_305 = tpu.vector_load_idx %arg14[%add3A_234, %broadcast_in_dim3A_303] : memref<512x16xf32, #tpu.memory_space<vmem>>[vector<16xi32>, vector<16xi32>], vector<16xf32>,
      %mul3A_306 = arith.mulf %gather3A_304, %gather3A_305 : vector<16xf32>
      %add3A_307 = arith.addf %add3A_301, %mul3A_306 : vector<16xf32>
      %broadcast_in_dim3A_308 = arith.constant 12 : i32
      %broadcast_in_dim3A_309 = vector.broadcast %broadcast_in_dim3A_308 : i32 to vector<16xi32>
      %gather3A_310 = tpu.vector_load_idx %arg13[%add3A_234, %broadcast_in_dim3A_309] : memref<512x16xf32, #tpu.memory_space<vmem>>[vector<16xi32>, vector<16xi32>], vector<16xf32>,
      %gather3A_311 = tpu.vector_load_idx %arg14[%add3A_234, %broadcast_in_dim3A_309] : memref<512x16xf32, #tpu.memory_space<vmem>>[vector<16xi32>, vector<16xi32>], vector<16xf32>,
      %mul3A_312 = arith.mulf %gather3A_310, %gather3A_311 : vector<16xf32>
      %add3A_313 = arith.addf %add3A_307, %mul3A_312 : vector<16xf32>
      %broadcast_in_dim3A_314 = arith.constant 13 : i32
      %broadcast_in_dim3A_315 = vector.broadcast %broadcast_in_dim3A_314 : i32 to vector<16xi32>
      %gather3A_316 = tpu.vector_load_idx %arg13[%add3A_234, %broadcast_in_dim3A_315] : memref<512x16xf32, #tpu.memory_space<vmem>>[vector<16xi32>, vector<16xi32>], vector<16xf32>,
      %gather3A_317 = tpu.vector_load_idx %arg14[%add3A_234, %broadcast_in_dim3A_315] : memref<512x16xf32, #tpu.memory_space<vmem>>[vector<16xi32>, vector<16xi32>], vector<16xf32>,
      %mul3A_318 = arith.mulf %gather3A_316, %gather3A_317 : vector<16xf32>
      %add3A_319 = arith.addf %add3A_313, %mul3A_318 : vector<16xf32>
      %broadcast_in_dim3A_320 = arith.constant 14 : i32
      %broadcast_in_dim3A_321 = vector.broadcast %broadcast_in_dim3A_320 : i32 to vector<16xi32>
      %gather3A_322 = tpu.vector_load_idx %arg13[%add3A_234, %broadcast_in_dim3A_321] : memref<512x16xf32, #tpu.memory_space<vmem>>[vector<16xi32>, vector<16xi32>], vector<16xf32>,
      %gather3A_323 = tpu.vector_load_idx %arg14[%add3A_234, %broadcast_in_dim3A_321] : memref<512x16xf32, #tpu.memory_space<vmem>>[vector<16xi32>, vector<16xi32>], vector<16xf32>,
      %mul3A_324 = arith.mulf %gather3A_322, %gather3A_323 : vector<16xf32>
      %add3A_325 = arith.addf %add3A_319, %mul3A_324 : vector<16xf32>
      %broadcast_in_dim3A_326 = arith.constant 15 : i32
      %broadcast_in_dim3A_327 = vector.broadcast %broadcast_in_dim3A_326 : i32 to vector<16xi32>
      %gather3A_328 = tpu.vector_load_idx %arg13[%add3A_234, %broadcast_in_dim3A_327] : memref<512x16xf32, #tpu.memory_space<vmem>>[vector<16xi32>, vector<16xi32>], vector<16xf32>,
      %gather3A_329 = tpu.vector_load_idx %arg14[%add3A_234, %broadcast_in_dim3A_327] : memref<512x16xf32, #tpu.memory_space<vmem>>[vector<16xi32>, vector<16xi32>], vector<16xf32>,
      %mul3A_330 = arith.mulf %gather3A_328, %gather3A_329 : vector<16xf32>
      %add3A_331 = arith.addf %add3A_325, %mul3A_330 : vector<16xf32>
      %mul3A_332 = arith.constant 16 : i32
      %mul3A_333 = arith.muli %scan3A_230, %mul3A_332 : i32
      %swap3A = arith.index_cast %mul3A_333 : i32 to index
      %swap3A_334 = tpu.vector_load %arg16[%swap3A] {strides = array<i32>} : memref<512xf32, #tpu.memory_space<vmem>>, vector<16xf32>,
      tpu.vector_store %arg16[%swap3A], %add3A_331 {strides = array<i32>} : memref<512xf32, #tpu.memory_space<vmem>>, vector<16xf32>,
    }
    %scan3A_229 = arith.constant 32 : i32
    "tpu.region"() ({
      %run_scoped3A = tpu.sem_alloc : memref<!tpu.dma_semaphore, #tpu.memory_space<semaphore_mem>>
      %dma_start3A_230 = tpu.memref_slice %arg7[%mul3A_2] : memref<16384xf32, #tpu.memory_space<hbm>> -> memref<512xf32, #tpu.memory_space<hbm>>
      %dma_start3A_231 = tpu.memref_slice %arg7[%mul3A_2] : memref<16384xf32, #tpu.memory_space<hbm>> -> memref<512xf32, #tpu.memory_space<hbm>>
      tpu.enqueue_dma source(%arg16 : memref<512xf32, #tpu.memory_space<vmem>>) target(%dma_start3A_231 : memref<512xf32, #tpu.memory_space<hbm>>) target_semaphore(%run_scoped3A : memref<!tpu.dma_semaphore, #tpu.memory_space<semaphore_mem>>)
      %dma_wait3A_232 = tpu.memref_slice %arg7[%mul3A_2] : memref<16384xf32, #tpu.memory_space<hbm>> -> memref<512xf32, #tpu.memory_space<hbm>>
      %dma_wait3A_233 = tpu.memref_slice %arg7[%mul3A_2] : memref<16384xf32, #tpu.memory_space<hbm>> -> memref<512xf32, #tpu.memory_space<hbm>>
      tpu.wait_dma2 semaphore(%run_scoped3A : memref<!tpu.dma_semaphore, #tpu.memory_space<semaphore_mem>>) src(%arg16 : memref<512xf32, #tpu.memory_space<vmem>>) dst(%dma_wait3A_233 : memref<512xf32, #tpu.memory_space<hbm>>)
      tpu.yield
    }) : () -> ()
    "tpu.region"() ({
      %run_scoped3A = tpu.sem_alloc : memref<!tpu.dma_semaphore, #tpu.memory_space<semaphore_mem>>
      %dma_start3A_230 = tpu.memref_slice %arg8[%mul3A_2] : memref<16384xf32, #tpu.memory_space<hbm>> -> memref<512xf32, #tpu.memory_space<hbm>>
      %dma_start3A_231 = tpu.memref_slice %arg8[%mul3A_2] : memref<16384xf32, #tpu.memory_space<hbm>> -> memref<512xf32, #tpu.memory_space<hbm>>
      tpu.enqueue_dma source(%arg15 : memref<512xf32, #tpu.memory_space<vmem>>) target(%dma_start3A_231 : memref<512xf32, #tpu.memory_space<hbm>>) target_semaphore(%run_scoped3A : memref<!tpu.dma_semaphore, #tpu.memory_space<semaphore_mem>>)
      %dma_wait3A_232 = tpu.memref_slice %arg8[%mul3A_2] : memref<16384xf32, #tpu.memory_space<hbm>> -> memref<512xf32, #tpu.memory_space<hbm>>
      %dma_wait3A_233 = tpu.memref_slice %arg8[%mul3A_2] : memref<16384xf32, #tpu.memory_space<hbm>> -> memref<512xf32, #tpu.memory_space<hbm>>
      tpu.wait_dma2 semaphore(%run_scoped3A : memref<!tpu.dma_semaphore, #tpu.memory_space<semaphore_mem>>) src(%arg15 : memref<512xf32, #tpu.memory_space<vmem>>) dst(%dma_wait3A_233 : memref<512xf32, #tpu.memory_space<hbm>>)
      tpu.yield
    }) : () -> ()
    "tpu.region"() ({
      %run_scoped3A = tpu.sem_alloc : memref<!tpu.dma_semaphore, #tpu.memory_space<semaphore_mem>>
      %dma_start3A_230 = arith.constant 0 : i32
      %dma_start3A_231 = tpu.memref_slice %arg9[%mul3A_2, %dma_start3A_230] : memref<16384x16xf32, #tpu.memory_space<hbm>> -> memref<512x16xf32, #tpu.memory_space<hbm>>
      %dma_start3A_232 = arith.constant 0 : i32
      %dma_start3A_233 = tpu.memref_slice %arg9[%mul3A_2, %dma_start3A_232] : memref<16384x16xf32, #tpu.memory_space<hbm>> -> memref<512x16xf32, #tpu.memory_space<hbm>>
      tpu.enqueue_dma source(%arg13 : memref<512x16xf32, #tpu.memory_space<vmem>>) target(%dma_start3A_233 : memref<512x16xf32, #tpu.memory_space<hbm>>) target_semaphore(%run_scoped3A : memref<!tpu.dma_semaphore, #tpu.memory_space<semaphore_mem>>)
      %dma_wait3A_234 = arith.constant 0 : i32
      %dma_wait3A_235 = tpu.memref_slice %arg9[%mul3A_2, %dma_wait3A_234] : memref<16384x16xf32, #tpu.memory_space<hbm>> -> memref<512x16xf32, #tpu.memory_space<hbm>>
      %dma_wait3A_236 = arith.constant 0 : i32
      %dma_wait3A_237 = tpu.memref_slice %arg9[%mul3A_2, %dma_wait3A_236] : memref<16384x16xf32, #tpu.memory_space<hbm>> -> memref<512x16xf32, #tpu.memory_space<hbm>>
      tpu.wait_dma2 semaphore(%run_scoped3A : memref<!tpu.dma_semaphore, #tpu.memory_space<semaphore_mem>>) src(%arg13 : memref<512x16xf32, #tpu.memory_space<vmem>>) dst(%dma_wait3A_237 : memref<512x16xf32, #tpu.memory_space<hbm>>)
      tpu.yield
    }) : () -> ()
    "tpu.region"() ({
      %run_scoped3A = tpu.sem_alloc : memref<!tpu.dma_semaphore, #tpu.memory_space<semaphore_mem>>
      %dma_start3A_230 = arith.constant 0 : i32
      %dma_start3A_231 = tpu.memref_slice %arg10[%mul3A_2, %dma_start3A_230] : memref<16384x16xf32, #tpu.memory_space<hbm>> -> memref<512x16xf32, #tpu.memory_space<hbm>>
      %dma_start3A_232 = arith.constant 0 : i32
      %dma_start3A_233 = tpu.memref_slice %arg10[%mul3A_2, %dma_start3A_232] : memref<16384x16xf32, #tpu.memory_space<hbm>> -> memref<512x16xf32, #tpu.memory_space<hbm>>
      tpu.enqueue_dma source(%arg14 : memref<512x16xf32, #tpu.memory_space<vmem>>) target(%dma_start3A_233 : memref<512x16xf32, #tpu.memory_space<hbm>>) target_semaphore(%run_scoped3A : memref<!tpu.dma_semaphore, #tpu.memory_space<semaphore_mem>>)
      %dma_wait3A_234 = arith.constant 0 : i32
      %dma_wait3A_235 = tpu.memref_slice %arg10[%mul3A_2, %dma_wait3A_234] : memref<16384x16xf32, #tpu.memory_space<hbm>> -> memref<512x16xf32, #tpu.memory_space<hbm>>
      %dma_wait3A_236 = arith.constant 0 : i32
      %dma_wait3A_237 = tpu.memref_slice %arg10[%mul3A_2, %dma_wait3A_236] : memref<16384x16xf32, #tpu.memory_space<hbm>> -> memref<512x16xf32, #tpu.memory_space<hbm>>
      tpu.wait_dma2 semaphore(%run_scoped3A : memref<!tpu.dma_semaphore, #tpu.memory_space<semaphore_mem>>) src(%arg14 : memref<512x16xf32, #tpu.memory_space<vmem>>) dst(%dma_wait3A_237 : memref<512x16xf32, #tpu.memory_space<hbm>>)
      tpu.yield
    }) : () -> ()
    return
  }
}

</mosaic_0001>

<sc_bundles>
// kernel: kernel.3.cloned.1.call-start
scs
__scs_entry_jumppad:
0x0: {  	(pc) =	sbr.rel $0x88, $3  }
0x1: {  	(tag) =	ssettag $0x0;
	lr =	simm.s32 $0x1  }
0x2: {  	[smem:$0x3F9C] =	sst lr;
	_ =	strace $0xD0000000  }
0x3: {  	_ = 	snop  }
0x4: {  	_ = 	snop  }
0x5: {  	_ = 	snop  }
0x6: {  	_ = 	snop  }
0x7: {  	_ = 	snop  }
__scs_overlays_trampoline_lowered:
0x8: {  	[smem:$0x3FAB] =	sst s0  }
0x9: {  	[smem:$0x3FAC] =	sst s1  }
0xa: {  	[smem:$0x3FAD] =	sst s2  }
0xb: {  	[smem:$0x3FAE] =	sst s3  }
0xc: {  	[smem:$0x3FAF] =	sst s4  }
0xd: {  	[smem:$0x3FB0] =	sst s5  }
0xe: {  	[smem:$0x3FB1] =	sst s6  }
0xf: {  	[smem:$0x3FB2] =	sst s7  }
0x10: {  	[smem:$0x3FB3] =	sst s8  }
0x11: {  	[smem:$0x3FB4] =	sst s9;
	s0 =	simm.s32 @!p0 $0x0  }
0x12: {  	s1 =	sld [smem:$0x3F9A];
	s0 =	simm.s32 @p0 $0x1  }
0x13: {  	[smem:$0x3FB5] =	sst s0;
	s0 =	simm.s32 @!p1 $0x0  }
0x14: {  	s2 =	sld [smem:$0x3F99];
	s0 =	simm.s32 @p1 $0x1  }
0x15: {  	[smem:$0x3FB6] =	sst s0;
	s0 =	simm.s32 @!p2 $0x0  }
0x16: {  	s3 =	sld [smem:$0x3FDB];
	s0 =	simm.s32 @p2 $0x1  }
0x17: {  	s4 =	simm.s32 $0x1BF5;
	[smem:$0x3FB8] =	sst s0  }
0x18: {  	s0 =	sld [smem:$0x3F9B];
	_ =	swait.ge [sflag:s4], $0x0  }
0x19: {  	s7 =	sld [smem:$0x3F9C]  }
0x1a: {  	s8 =	sadd.s32 $0xFFFFE003, lr  }
0x1b: {  	s9 =	sadd.s32 $0xFFFFFEF7, lr;
	s5 =	simm.s32 $0xFFFFFFFF;
	p2 =	slt.u32 s8, $0xFFFFF086  }
0x1c: {  	p1 =	slt.u32 s9, $0xF7A;
	s5 =	simm.s32 @!p2 $0x0  }
0x1d: {  	s5 =	simm.s32 @p1 $0x1;
	p0 =	seq.s32 s7, s2  }
0x1e: {  	s7 =	smul.u32 @!p0 $0xF7A, s2;
	p2 =	seq.s32 @!p0 s5, $0x0  }
0x1f: {  	s9 =	smul.u32 $0xF7A, s1;
	s8 =	simm.s32 @!p0 $0x1BF5;
	p2 =	por !p2, p0  }
0x20: {  	[sflag:s8] =	ssyncset.s32 @!p0 $0xFFFFF086;
	s6 =	sadd.s32 @!p0 s3, s7;
	s7 =	simm.s32 @!p0 $0x108  }
0x21: {  	s3 =	sadd.s32 s3, s9;
	s6 =	sadd.s32 @!p0 $0x88, s6;
	s7 =	simm.s32 @p2 $0x1082  }
0x22: {  	[simem:s7], [sflag:s8] =	dma.local @!p0 [hbm:s6], $0xF7A  }
0x23: {  	s9 =	sor.u32 $0xD0000000, s2;
	s6 =	simm.s32 $0x108;
	_ =	swait.ge @!p0 [sflag:s8], $0x0  }
0x24: {  	s3 =	sadd.s32 $0x88, s3;
	s6 =	simm.s32 @!p1 $0x1082;
	[sflag:s4] =	ssyncset.s32 $0xFFFFF086  }
0x25: {  	[simem:s6], [sflag:s4] =	dma.local [hbm:s3], $0xF7A  }
0x26: {  	[smem:$0x3F9C] =	sst s1;
	(tag) =	ssettag s2;
	_ =	strace s9  }
0x27: {  	s1 =	sld [smem:$0x3FAC]  }
0x28: {  	s2 =	sld [smem:$0x3FAD]  }
0x29: {  	s4 =	sld [smem:$0x3FAF]  }
0x2a: {  	p0 =	seq.s32 s5, $0x0;
	s5 =	sld [smem:$0x3FB0]  }
0x2b: {  	s6 =	sld [smem:$0x3FB1]  }
0x2c: {  	s7 =	sld [smem:$0x3FB2]  }
0x2d: {  	s3 =	simm.s32 $0x108;
	s8 =	sld [smem:$0x3FB3]  }
0x2e: {  	s3 =	simm.s32 @!p0 $0x1082;
	s9 =	sld [smem:$0x3FB4]  }
0x2f: {  	lr =	sadd.s32 s0, s3;
	s0 =	sld [smem:$0x3FAB]  }
0x30: {  	s3 =	sld [smem:$0x3FAE]  }
0x31: {  	[smem:$0x3FB7] =	sst s10  }
0x32: {  	s10 =	sld [smem:$0x3FB5];
	_ =	sdelay $0x3  }
0x33: {  	p0 =	seq.s32 s10, $0x1;
	s10 =	sld [smem:$0x3FB7];
	_ =	sdelay $0x3  }
0x34: {  	[smem:$0x3FB7] =	sst s10  }
0x35: {  	s10 =	sld [smem:$0x3FB6];
	_ =	sdelay $0x3  }
0x36: {  	p1 =	seq.s32 s10, $0x1;
	s10 =	sld [smem:$0x3FB7];
	_ =	sdelay $0x3  }
0x37: {  	[smem:$0x3FB7] =	sst s10  }
0x38: {  	s10 =	sld [smem:$0x3FB8]  }
0x39: {  	_ = 	snop;
	(pc) =	sbr.ind lr, $3  }
0x3a: {  	_ = 	snop  }
0x3b: {  	_ = 	snop  }
0x3c: {  	p2 =	seq.s32 s10, $0x1;
	s10 =	sld [smem:$0x3FB7]  }
0x3d: {  	_ =	shalt  }
0x3e: {  	_ =	shalt  }
0x3f: {  	_ =	shalt  }
0x40: {  	_ =	shalt  }
0x41: {  	_ =	shalt  }
0x42: {  	_ =	shalt  }
0x43: {  	_ =	shalt  }
0x44: {  	_ =	shalt  }
0x45: {  	_ =	shalt  }
0x46: {  	_ =	shalt  }
0x47: {  	_ =	shalt  }
0x48: {  	_ =	shalt  }
0x49: {  	_ =	shalt  }
0x4a: {  	_ =	shalt  }
0x4b: {  	_ =	shalt  }
0x4c: {  	_ =	shalt  }
0x4d: {  	_ =	shalt  }
0x4e: {  	_ =	shalt  }
0x4f: {  	_ =	shalt  }
0x50: {  	_ =	shalt  }
0x51: {  	_ =	shalt  }
0x52: {  	_ =	shalt  }
0x53: {  	_ =	shalt  }
0x54: {  	_ =	shalt  }
0x55: {  	_ =	shalt  }
0x56: {  	_ =	shalt  }
0x57: {  	_ =	shalt  }
0x58: {  	_ =	shalt  }
0x59: {  	_ =	shalt  }
0x5a: {  	_ =	shalt  }
0x5b: {  	_ =	shalt  }
0x5c: {  	_ =	shalt  }
0x5d: {  	_ =	shalt  }
0x5e: {  	_ =	shalt  }
0x5f: {  	_ =	shalt  }
0x60: {  	_ =	shalt  }
0x61: {  	_ =	shalt  }
0x62: {  	_ =	shalt  }
0x63: {  	_ =	shalt  }
0x64: {  	_ =	shalt  }
0x65: {  	_ =	shalt  }
0x66: {  	_ =	shalt  }
0x67: {  	_ =	shalt  }
0x68: {  	_ =	shalt  }
0x69: {  	_ =	shalt  }
0x6a: {  	_ =	shalt  }
0x6b: {  	_ =	shalt  }
0x6c: {  	_ =	shalt  }
0x6d: {  	_ =	shalt  }
0x6e: {  	_ =	shalt  }
0x6f: {  	_ =	shalt  }
0x70: {  	_ =	shalt  }
0x71: {  	_ =	shalt  }
0x72: {  	_ =	shalt  }
0x73: {  	_ =	shalt  }
0x74: {  	_ =	shalt  }
0x75: {  	_ =	shalt  }
0x76: {  	_ =	shalt  }
0x77: {  	_ =	shalt  }
0x78: {  	_ =	shalt  }
0x79: {  	_ =	shalt  }
0x7a: {  	_ =	shalt  }
0x7b: {  	_ =	shalt  }
0x7c: {  	_ =	shalt  }
0x7d: {  	_ =	shalt  }
0x7e: {  	_ =	shalt  }
0x7f: {  	_ =	shalt  }
0x80: {  	_ =	shalt  }
0x81: {  	_ =	shalt  }
0x82: {  	_ =	shalt  }
0x83: {  	_ =	shalt  }
0x84: {  	_ =	shalt  }
0x85: {  	_ =	shalt  }
0x86: {  	_ =	shalt  }
0x87: {  	_ =	shalt  }
.Lfunc_end0:
.L_simem_size_0:
called_computation_lowered:
.L_overlay_start_0:
0x88: {  	s2 =	sld [smem:$0x3FD9]  }
0x89: {  	s3 =	sld [smem:$0x3FFE];
	_ =	sdelay $0x1  }
0x8a: {  	s1 =	srdreg.scid  }
0x8b: {  	s0 =	sand.u32 $0x1, s1  }
0x8c: {  	s14 =	sshll.u32 s0, $0xA;
	s2 =	sadd.s32 s3, s2  }
0x8d: {  	s2 =	sadd.s32 s2, s14  }
0x8e: {  	[smem:$0x3FC3] =	sst s2  }
0x8f: {  	_ = 	snop  }
0x90: {  	s2 =	sld [smem:$0x3FD0]  }
0x91: {  	s15 =	sld [smem:$0x3FC9]  }
0x92: {  	s4 =	sld [smem:$0x3FC8]  }
0x93: {  	s6 =	simm.s32 $0xA;
	s7 =	simm.s32 $0x10;
	s5 =	sld [smem:$0x3FC7]  }
0x94: {  	[smem:s7], [sflag:s6] =	dma.local [hbm:s2], $0x1  }
0x95: {  	_ =	swait.eq [sflag:s6], $0x1  }
0x96: {  	s16 =	sld [smem:$0x10];
	[sflag:s6] =	ssyncset.done $0x0  }
0x97: {  	s17 =	sld [smem:$0x11];
	[sflag:s6] =	ssyncadd.s32 $0xFFFFFFFF  }
0x98: {  	s18 =	sld [smem:$0x13];
	(tm) =	ssettm $0x1  }
0x99: {  	s8 =	sld [smem:$0x3FFB];
	_ =	sdelay $0x3  }
0x9a: {  	_ =	strace s8  }
0x9b: {  	s8 =	sld [smem:$0x3FFC];
	_ =	sdelay $0x3  }
0x9c: {  	_ =	strace s8  }
0x9d: {  	s8 =	sld [smem:$0x3FFD];
	_ =	sdelay $0x3  }
0x9e: {  	_ =	strace s8  }
0x9f: {  	_ =	strace $0x8FFFFFFF  }
0xa0: {  	s19 =	sld [smem:$0x3FDB];
	_ =	sdelay $0x1  }
0xa1: {  	s9 =	simm.s32 $_scs_section_size  }
0xa2: {  	s10 =	simm.s32 $_size__tile_overlayer_lowered;
	s11 =	simm.s32 $_tile_overlayer_lowered  }
0xa3: {  	s22 =	simm.s32 $0x1BFF;
	s21 =	sshll.u32 s11, $0x1;
	s8 =	sadd.s32 s9, s19  }
0xa4: {  	s12 =	simm.s32 $0x0;
	s20 =	sshll.u32 s10, $0x1;
	s10 =	sadd.s32 s21, s8  }
0xa5: {  	[timem:s12], [sflag:s22] =	dma.local [hbm:s10], s20  }
0xa6: {  	_ =	swait.ge [sflag:s22], s20  }
0xa7: {  	s9 =	ssub.s32 $0x0, s20;
	[sflag:s22] =	ssyncset.done $0x0  }
0xa8: {  	[sflag:s22] =	ssyncadd.s32 s9;
	_ =	sdelay $0x1  }
0xa9: {  	s23 =	simm.s32 $0x1B8B  }
0xaa: {  	_ =	swait.ge [sflag:s23], $0x1  }
0xab: {  	[sflag:s23] =	ssyncset.done $0x0  }
0xac: {  	s25 =	simm.s32 $0x1B8E;
	s24 =	sld [smem:$0x3FFE];
	[sflag:s23] =	ssyncadd.s32 $0xFFFFFFFF  }
0xad: {  	s26 =	simm.s32 $execute0_lowered;
	[smem:$0x3FD2] =	sst s25  }
0xae: {  	s10 =	sshll.u32 s26, $0x1;
	_ =	strace $0x80000046;
	[dreg:$0x1] =	wrdreg $0xFFFFFFFF  }
0xaf: {  	s28 =	simm.s32 $_size_execute0_lowered;
	s8 =	sadd.s32 s8, s10;
	[dreg:$0x0] =	wrdreg $0x0  }
0xb0: {  	s10 =	sshll.u32 s28, $0x1;
	[dreg:$0x2] =	wrdreg s8  }
0xb1: {  	[dreg:$0x3] =	wrdreg s10  }
0xb2: {  	[dreg:$0x4] =	wrdreg $0xC0  }
0xb3: {  	_ =	task [dreg:s12], $0x5FFFF  }
0xb4: {  	[dreg:$0x1] =	wrdreg $0xFFFFFFFF  }
0xb5: {  	[dreg:$0x0] =	wrdreg $0x60  }
0xb6: {  	[dreg:$0x2] =	wrdreg s15  }
0xb7: {  	[dreg:$0x3] =	wrdreg s4  }
0xb8: {  	[dreg:$0x4] =	wrdreg s5  }
0xb9: {  	[dreg:$0x5] =	wrdreg s24  }
0xba: {  	[dreg:$0x6] =	wrdreg s16  }
0xbb: {  	[dreg:$0x7] =	wrdreg s17  }
0xbc: {  	[dreg:$0x8] =	wrdreg s18  }
0xbd: {  	[dreg:$0x9] =	wrdreg $0x9  }
0xbe: {  	_ =	task.clear_ibuf [dreg:s12], $0xAFFFF;
	_ =	strace $0x90000046  }
0xbf: {  	s29 =	simm.s32 $0x9;
	_ =	strace $0x80000048  }
0xc0: {  	_ =	swait.ge [sflag:s29], $0x1  }
0xc1: {  	[sflag:s29] =	ssyncadd.s32 $0xFFFFFFFF  }
0xc2: {  	_ =	strace $0x90000048  }
0xc3: {  	_ =	sfence  }
0xc4: {  	s30 =	sld [smem:$0x0];
	_ =	sdelay $0x2  }
0xc5: {  	s31 =	sshll.u32 s1, $0xD;
	s1 =	sshrl.u32 s1, $0x2  }
0xc6: {  	s3 =	sand.u32 $0x4000, s31;
	s1 =	sadd.s32 s1, s30  }
0xc7: {  	s0 =	sor.u32 s3, s0;
	s1 =	sshll.u32 s1, $0x11  }
0xc8: {  	s0 =	sor.u32 s1, s0  }
0xc9: {  	s0 =	sadd.s32 $0x8F2B, s0  }
0xca: {  	[sflag:s0] =	ssyncadd.remote.s32 $0x1  }
0xcb: {  	_ =	sfence.sel $0xFFFF  }
0xcc: {  	[dreg:$0x0] =	wrdreg $0xFFFFFFFF;
	(pc) =	sbr.abs _section_cstart, $3  }
0xcd: {  	[dreg:$0x1] =	wrdreg $0xFFFFFFFF  }
0xce: {  	_ =	task.clear_ibuf [dreg:s12], $0x2FFFF;
	_ =	strace $0x9FFFFFFF  }
0xcf: {  	(tm) =	ssettm $0x7FFFFFFF  }
tec
execute0_lowered:
.L_overlay_start_1:
0x0: {  	(tag) =	ssettag $0x1  }
0x1: {  	s0 =	rddreg [dreg:$0x0]  }
0x2: {  	s2 =	rddreg [dreg:$0x1]  }
0x3: {  	s1 =	rddreg [dreg:$0x2]  }
0x4: {  	s6 =	rddreg [dreg:$0x3]  }
0x5: {  	s8 =	rddreg [dreg:$0x4]  }
0x6: {  	s9 =	rddreg [dreg:$0x5]  }
0x7: {  	s10 =	rddreg [dreg:$0x6];
	s3 =	simm.s32 $0x0;
	s4 =	srdreg.scid  }
0x8: {  	s7 =	stileid.u32;
	s15 =	simm.s32 $0x80;
	s16 =	simm.s32 $0x400  }
0x9: {  	s17 =	simm.s32 $0x2400;
	s19 =	simm.s32 $0x280;
	s24 =	simm.s32 $0x300  }
0xa: {  	s28 =	simm.s32 $0x180;
	s29 =	simm.s32 $0x1C00;
	s30 =	simm.s32 $0x380  }
0xb: {  	s31 =	simm.s32 $0x3C00;
	s18 =	simm.s32 $0x4600;
	s20 =	simm.s32 $0x4400  }
0xc: {  	s21 =	simm.s32 $0x0;
	[smem:$0x7FF] =	sst s3;
	s5 =	sand.u32 $0x1, s4  }
0xd: {  	s7 =	sshll.u32 s7, $0xA;
	s4 =	sadd.s32 $0xF42C00, s6;
	s11 =	sshll.u32 s5, $0x9  }
0xe: {  	_ =	strace $0x80000047;
	s25 =	ssub.s32 $0x2, s5;
	s7 =	sor.u32 s11, s7  }
0xf: {  	s5 =	sadd.s32 $0x112B200, s6;
	s13 =	sshrl.u32 s25, $0x1;
	s12 =	sshll.u32 s7, $0x1  }
0x10: {  	s13 =	ssub.s32 s25, s13;
	s26 =	sshrl.u32 s7, $0x3;
	s14 =	sadd.s32 s12, s6  }
0x11: {  	s6 =	sadd.s32 s0, s26;
	s7 =	sadd.s32 s2, s26;
	s8 =	sadd.s32 s8, s26  }
0x12: {  	s9 =	sadd.s32 s9, s26;
	s10 =	sadd.s32 s10, s12;
	s12 =	smax.u32 s13, $0x1  }
0x13: {  	v0 =	vlaneseq.u32;
	s13 =	simm.s32 $0x2;
	s26 =	simm.s32 $0x4500;
	s0 =	simm.s32 $0x4580  }
0x14: {  	v0 =	vmul.u32 $0x10, v0;
	s2 =	simm.s32 $0x1;
	s11 =	sadd.s32 $0x800, s14;
	s14 =	simm.s32 $0x200  }
.LBB2_1:
0x15: {  	[tilespmem:s3], [sflag:$0x2] =	stream.linear.gather [hbm4b:s6+s3], $0x200, $0x38;
	[tilespmem:$0x4800] =	vst v63  }
0x16: {  	_ =	swait.ge [sflag:s13], $0x200  }
0x17: {  	[sflag:s13] =	ssyncset.done $0x0  }
0x18: {  	[sflag:s13] =	ssyncadd.s32 $0xFFFFFE00  }
0x19: {  	[tilespmem:s14], [sflag:$0x2] =	stream.linear.gather [hbm4b:s7+s3], $0x200, $0x38;
	[tilespmem:$0x4800] =	vst v63  }
0x1a: {  	_ =	swait.ge [sflag:s13], $0x200  }
0x1b: {  	[sflag:s13] =	ssyncset.done $0x0  }
0x1c: {  	[sflag:s13] =	ssyncadd.s32 $0xFFFFFE00  }
0x1d: {  	[tilespmem:s16], [sflag:$0x1] =	stream.indirect.gather [hbm4b:s4+s15], $0x10, s3, s15, $0xb8;
	[tilespmem:$0x4800] =	vst v63  }
0x1e: {  	_ = 	snop  }
0x1f: {  	[tilespmem:s17], [sflag:$0x1] =	stream.indirect.gather [hbm4b:s5+s15], $0x10, s14, s15, $0xb8;
	[tilespmem:$0x4800] =	vst v63  }
0x20: {  	_ = 	snop  }
0x21: {  	[tilespmem:s20], [sflag:$0x1] =	stream.indirect.gather [hbm4b:s1+s15], $0x1, s14, s15, $0xb8;
	[tilespmem:$0x4800] =	vst v63  }
0x22: {  	s22 =	simm.s32 $0xC00  }
0x23: {  	[tilespmem:s22], [sflag:$0x1] =	stream.indirect.gather [hbm4b:s4+s15], $0x10, s15, s15, $0xb8;
	[tilespmem:$0x4800] =	vst v63  }
0x24: {  	s25 =	simm.s32 $0x2C00  }
0x25: {  	[tilespmem:s25], [sflag:$0x1] =	stream.indirect.gather [hbm4b:s5+s15], $0x10, s19, s15, $0xb8;
	[tilespmem:$0x4800] =	vst v63  }
0x26: {  	s23 =	simm.s32 $0x4480  }
0x27: {  	[tilespmem:s23], [sflag:$0x1] =	stream.indirect.gather [hbm4b:s1+s15], $0x1, s19, s15, $0xb8;
	[tilespmem:$0x4800] =	vst v63  }
0x28: {  	s25 =	simm.s32 $0x100;
	s23 =	simm.s32 $0x1400  }
0x29: {  	[tilespmem:s23], [sflag:$0x1] =	stream.indirect.gather [hbm4b:s4+s15], $0x10, s25, s15, $0xb8;
	[tilespmem:$0x4800] =	vst v63  }
0x2a: {  	s25 =	simm.s32 $0x3400  }
0x2b: {  	[tilespmem:s25], [sflag:$0x1] =	stream.indirect.gather [hbm4b:s5+s15], $0x10, s24, s15, $0xb8;
	[tilespmem:$0x4800] =	vst v63  }
0x2c: {  	_ = 	snop  }
0x2d: {  	[tilespmem:s26], [sflag:$0x1] =	stream.indirect.gather [hbm4b:s1+s15], $0x1, s24, s15, $0xb8;
	[tilespmem:$0x4800] =	vst v63  }
0x2e: {  	_ = 	snop  }
0x2f: {  	[tilespmem:s29], [sflag:$0x1] =	stream.indirect.gather [hbm4b:s4+s15], $0x10, s28, s15, $0xb8;
	[tilespmem:$0x4800] =	vst v63  }
0x30: {  	_ = 	snop  }
0x31: {  	[tilespmem:s31], [sflag:$0x1] =	stream.indirect.gather [hbm4b:s5+s15], $0x10, s30, s15, $0xb8;
	[tilespmem:$0x4800] =	vst v63  }
0x32: {  	_ = 	snop  }
0x33: {  	[tilespmem:s0], [sflag:$0x1] =	stream.indirect.gather [hbm4b:s1+s15], $0x1, s30, s15, $0xb8;
	[tilespmem:$0x4800] =	vst v63  }
0x34: {  	_ =	swait.ge [sflag:s2], $0x800  }
0x35: {  	[sflag:s2] =	ssyncset.done $0x0  }
0x36: {  	[sflag:s2] =	ssyncadd.s32 $0xFFFFF800  }
0x37: {  	_ =	swait.ge [sflag:s2], $0x800  }
0x38: {  	[sflag:s2] =	ssyncset.done $0x0  }
0x39: {  	[sflag:s2] =	ssyncadd.s32 $0xFFFFF800  }
0x3a: {  	_ =	swait.ge [sflag:s2], $0x80  }
0x3b: {  	[sflag:s2] =	ssyncset.done $0x0  }
0x3c: {  	[sflag:s2] =	ssyncadd.s32 $0xFFFFFF80  }
0x3d: {  	_ =	swait.ge [sflag:s2], $0x800  }
0x3e: {  	[sflag:s2] =	ssyncset.done $0x0  }
0x3f: {  	[sflag:s2] =	ssyncadd.s32 $0xFFFFF800  }
0x40: {  	_ =	swait.ge [sflag:s2], $0x800  }
0x41: {  	[sflag:s2] =	ssyncset.done $0x0  }
0x42: {  	[sflag:s2] =	ssyncadd.s32 $0xFFFFF800  }
0x43: {  	_ =	swait.ge [sflag:s2], $0x80  }
0x44: {  	[sflag:s2] =	ssyncset.done $0x0  }
0x45: {  	[sflag:s2] =	ssyncadd.s32 $0xFFFFFF80  }
0x46: {  	_ =	swait.ge [sflag:s2], $0x800  }
0x47: {  	[sflag:s2] =	ssyncset.done $0x0  }
0x48: {  	[sflag:s2] =	ssyncadd.s32 $0xFFFFF800  }
0x49: {  	_ =	swait.ge [sflag:s2], $0x800  }
0x4a: {  	[sflag:s2] =	ssyncset.done $0x0  }
0x4b: {  	[sflag:s2] =	ssyncadd.s32 $0xFFFFF800  }
0x4c: {  	_ =	swait.ge [sflag:s2], $0x80  }
0x4d: {  	[sflag:s2] =	ssyncset.done $0x0  }
0x4e: {  	[sflag:s2] =	ssyncadd.s32 $0xFFFFFF80  }
0x4f: {  	_ =	swait.ge [sflag:s2], $0x800  }
0x50: {  	[sflag:s2] =	ssyncset.done $0x0  }
0x51: {  	v1 =	vmov s3;
	[sflag:s2] =	ssyncadd.s32 $0xFFFFF800  }
0x52: {  	v1 =	vshll.u32 v1, $0x4;
	_ =	swait.ge [sflag:s2], $0x800  }
0x53: {  	v1 =	vor.u32 v0, v1;
	[sflag:s2] =	ssyncset.done $0x0  }
0x54: {  	[sflag:s2] =	ssyncadd.s32 $0xFFFFF800  }
0x55: {  	v2 =	vor.u32 $0x1, v1;
	_ =	swait.ge [sflag:s2], $0x80  }
0x56: {  	[sflag:s2] =	ssyncset.done $0x0  }
0x57: {  	[sflag:s2] =	ssyncadd.s32 $0xFFFFFF80  }
0x58: {  	v3 =	vor.u32 $0x2, v1;
	v4 =	vld.idx.msk [tilespmem:v1+s16+$0x0], $0xffff  }
0x59: {  	v5 =	vld.idx.msk [tilespmem:v1+s17+$0x0], $0xffff  }
0x5a: {  	v6 =	vor.u32 $0x3, v1;
	v7 =	vld.idx.msk [tilespmem:v2+s16+$0x0], $0xffff  }
0x5b: {  	v2 =	vld.idx.msk [tilespmem:v2+s17+$0x0], $0xffff  }
0x5c: {  	v8 =	vor.u32 $0x4, v1;
	v9 =	vld [tilespmem:s20+$0x0]  }
0x5d: {  	v10 =	vld.idx.msk [tilespmem:v3+s16+$0x0], $0xffff  }
0x5e: {  	v11 =	vor.u32 $0x5, v1;
	v3 =	vld.idx.msk [tilespmem:v3+s17+$0x0], $0xffff  }
0x5f: {  	v12 =	vld.idx.msk [tilespmem:v6+s16+$0x0], $0xffff;
	v4 =	vmul.f32 v5, v4  }
0x60: {  	v5 =	vld.idx.msk [tilespmem:v6+s17+$0x0], $0xffff;
	v6 =	vor.u32 $0x6, v1  }
0x61: {  	v13 =	vld.idx.msk [tilespmem:v8+s16+$0x0], $0xffff;
	v2 =	vmul.f32 v2, v7;
	v4 =	vadd.f32 v4, v9  }
0x62: {  	v26 =	vor.u32 $0x7, v1;
	v7 =	vld.idx.msk [tilespmem:v8+s17+$0x0], $0xffff  }
0x63: {  	v27 =	vld.idx.msk [tilespmem:v11+s16+$0x0], $0xffff;
	v3 =	vmul.f32 v3, v10;
	v2 =	vadd.f32 v2, v4  }
0x64: {  	v28 =	vor.u32 $0x8, v1;
	v4 =	vld.idx.msk [tilespmem:v11+s17+$0x0], $0xffff  }
0x65: {  	v29 =	vld.idx.msk [tilespmem:v6+s16+$0x0], $0xffff;
	v2 =	vadd.f32 v3, v2;
	v3 =	vmul.f32 v5, v12  }
0x66: {  	v5 =	vld.idx.msk [tilespmem:v6+s17+$0x0], $0xffff;
	v6 =	vor.u32 $0x9, v1  }
0x67: {  	v30 =	vld.idx.msk [tilespmem:v26+s16+$0x0], $0xffff;
	v2 =	vadd.f32 v3, v2;
	v3 =	vmul.f32 v7, v13  }
0x68: {  	v31 =	vor.u32 $0xA, v1;
	v7 =	vld.idx.msk [tilespmem:v26+s17+$0x0], $0xffff  }
0x69: {  	v32 =	vld.idx.msk [tilespmem:v28+s16+$0x0], $0xffff;
	v2 =	vadd.f32 v3, v2;
	v3 =	vmul.f32 v4, v27  }
0x6a: {  	v33 =	vor.u32 $0xB, v1;
	v4 =	vld.idx.msk [tilespmem:v28+s17+$0x0], $0xffff  }
0x6b: {  	v34 =	vld.idx.msk [tilespmem:v6+s16+$0x0], $0xffff;
	v2 =	vadd.f32 v3, v2;
	v3 =	vmul.f32 v5, v29  }
0x6c: {  	v5 =	vld.idx.msk [tilespmem:v6+s17+$0x0], $0xffff;
	v6 =	vor.u32 $0xC, v1  }
0x6d: {  	v35 =	vld.idx.msk [tilespmem:v31+s16+$0x0], $0xffff;
	v2 =	vadd.f32 v3, v2;
	v3 =	vmul.f32 v7, v30  }
0x6e: {  	v36 =	vor.u32 $0xD, v1;
	v7 =	vld.idx.msk [tilespmem:v31+s17+$0x0], $0xffff  }
0x6f: {  	v37 =	vld.idx.msk [tilespmem:v33+s16+$0x0], $0xffff;
	v2 =	vadd.f32 v3, v2;
	v3 =	vmul.f32 v4, v32  }
0x70: {  	v38 =	vor.u32 $0xE, v1;
	v4 =	vld.idx.msk [tilespmem:v33+s17+$0x0], $0xffff  }
0x71: {  	v39 =	vld.idx.msk [tilespmem:v6+s16+$0x0], $0xffff;
	v2 =	vadd.f32 v3, v2;
	v3 =	vmul.f32 v5, v34  }
0x72: {  	v1 =	vor.u32 $0xF, v1;
	v5 =	vld.idx.msk [tilespmem:v6+s17+$0x0], $0xffff  }
0x73: {  	v6 =	vld.idx.msk [tilespmem:v36+s16+$0x0], $0xffff;
	v2 =	vadd.f32 v3, v2;
	v3 =	vmul.f32 v7, v35  }
0x74: {  	v7 =	vld.idx.msk [tilespmem:v36+s17+$0x0], $0xffff  }
0x75: {  	v40 =	vld.idx.msk [tilespmem:v38+s16+$0x0], $0xffff;
	v2 =	vadd.f32 v3, v2;
	v3 =	vmul.f32 v4, v37  }
0x76: {  	v4 =	vld.idx.msk [tilespmem:v38+s17+$0x0], $0xffff  }
0x77: {  	v41 =	vld.idx.msk [tilespmem:v1+s16+$0x0], $0xffff;
	v2 =	vadd.f32 v3, v2;
	v3 =	vmul.f32 v5, v39  }
0x78: {  	v1 =	vld.idx.msk [tilespmem:v1+s17+$0x0], $0xffff  }
0x79: {  	v2 =	vadd.f32 v3, v2;
	v3 =	vmul.f32 v7, v6  }
0x7a: {  	s23 =	simm.s32 $0x10  }
0x7b: {  	v5 =	vmov s23;
	v2 =	vadd.f32 v3, v2;
	v3 =	vmul.f32 v4, v40  }
0x7c: {  	v4 =	vshll.u32 v5, $0x4  }
0x7d: {  	v1 =	vmul.f32 v1, v41;
	v4 =	vor.u32 v0, v4;
	v2 =	vadd.f32 v3, v2;
	_ =	sdelay $0x1  }
0x7e: {  	v1 =	vadd.f32 v1, v2  }
0x7f: {  	v2 =	vor.u32 $0x1, v4  }
0x80: {  	[tilespmem:s18+$0x0] =	vst v1  }
0x81: {  	v1 =	vor.u32 $0x2, v4;
	v3 =	vld.idx.msk [tilespmem:v4+s16+$0x0], $0xffff  }
0x82: {  	s22 =	simm.s32 $0x4410;
	v5 =	vld.idx.msk [tilespmem:v4+s17+$0x0], $0xffff  }
0x83: {  	v6 =	vor.u32 $0x3, v4;
	v43 =	vld [tilespmem:s22+$0x0]  }
0x84: {  	v7 =	vld.idx.msk [tilespmem:v2+s16+$0x0], $0xffff  }
0x85: {  	v42 =	vor.u32 $0x4, v4;
	v2 =	vld.idx.msk [tilespmem:v2+s17+$0x0], $0xffff  }
0x86: {  	v44 =	vld.idx.msk [tilespmem:v1+s16+$0x0], $0xffff  }
0x87: {  	v45 =	vor.u32 $0x5, v4;
	v1 =	vld.idx.msk [tilespmem:v1+s17+$0x0], $0xffff  }
0x88: {  	v46 =	vld.idx.msk [tilespmem:v6+s16+$0x0], $0xffff;
	v3 =	vmul.f32 v5, v3  }
0x89: {  	v5 =	vld.idx.msk [tilespmem:v6+s17+$0x0], $0xffff;
	v6 =	vor.u32 $0x6, v4  }
0x8a: {  	v47 =	vld.idx.msk [tilespmem:v42+s16+$0x0], $0xffff;
	v3 =	vadd.f32 v3, v43;
	v2 =	vmul.f32 v2, v7  }
0x8b: {  	v48 =	vor.u32 $0x7, v4;
	v7 =	vld.idx.msk [tilespmem:v42+s17+$0x0], $0xffff  }
0x8c: {  	v49 =	vld.idx.msk [tilespmem:v45+s16+$0x0], $0xffff;
	v2 =	vadd.f32 v2, v3;
	v1 =	vmul.f32 v1, v44  }
0x8d: {  	v50 =	vor.u32 $0x8, v4;
	v3 =	vld.idx.msk [tilespmem:v45+s17+$0x0], $0xffff  }
0x8e: {  	v51 =	vld.idx.msk [tilespmem:v6+s16+$0x0], $0xffff;
	v1 =	vadd.f32 v1, v2;
	v2 =	vmul.f32 v5, v46  }
0x8f: {  	v5 =	vld.idx.msk [tilespmem:v6+s17+$0x0], $0xffff;
	v6 =	vor.u32 $0x9, v4  }
0x90: {  	v52 =	vld.idx.msk [tilespmem:v48+s16+$0x0], $0xffff;
	v1 =	vadd.f32 v2, v1;
	v2 =	vmul.f32 v7, v47  }
0x91: {  	v53 =	vor.u32 $0xA, v4;
	v7 =	vld.idx.msk [tilespmem:v48+s17+$0x0], $0xffff  }
0x92: {  	v54 =	vld.idx.msk [tilespmem:v50+s16+$0x0], $0xffff;
	v1 =	vadd.f32 v2, v1;
	v2 =	vmul.f32 v3, v49  }
0x93: {  	v55 =	vor.u32 $0xB, v4;
	v3 =	vld.idx.msk [tilespmem:v50+s17+$0x0], $0xffff  }
0x94: {  	v56 =	vld.idx.msk [tilespmem:v6+s16+$0x0], $0xffff;
	v1 =	vadd.f32 v2, v1;
	v2 =	vmul.f32 v5, v51  }
0x95: {  	v5 =	vld.idx.msk [tilespmem:v6+s17+$0x0], $0xffff;
	v6 =	vor.u32 $0xC, v4  }
0x96: {  	v57 =	vld.idx.msk [tilespmem:v53+s16+$0x0], $0xffff;
	v1 =	vadd.f32 v2, v1;
	v2 =	vmul.f32 v7, v52  }
0x97: {  	v58 =	vor.u32 $0xD, v4;
	v7 =	vld.idx.msk [tilespmem:v53+s17+$0x0], $0xffff  }
0x98: {  	v59 =	vld.idx.msk [tilespmem:v55+s16+$0x0], $0xffff;
	v1 =	vadd.f32 v2, v1;
	v2 =	vmul.f32 v3, v54  }
0x99: {  	v60 =	vor.u32 $0xE, v4;
	v3 =	vld.idx.msk [tilespmem:v55+s17+$0x0], $0xffff  }
0x9a: {  	v61 =	vld.idx.msk [tilespmem:v6+s16+$0x0], $0xffff;
	v1 =	vadd.f32 v2, v1;
	v2 =	vmul.f32 v5, v56  }
0x9b: {  	v4 =	vor.u32 $0xF, v4;
	v5 =	vld.idx.msk [tilespmem:v6+s17+$0x0], $0xffff  }
0x9c: {  	v6 =	vld.idx.msk [tilespmem:v58+s16+$0x0], $0xffff;
	v1 =	vadd.f32 v2, v1;
	v2 =	vmul.f32 v7, v57  }
0x9d: {  	v7 =	vld.idx.msk [tilespmem:v58+s17+$0x0], $0xffff  }
0x9e: {  	v62 =	vld.idx.msk [tilespmem:v60+s16+$0x0], $0xffff;
	v1 =	vadd.f32 v2, v1;
	v2 =	vmul.f32 v3, v59  }
0x9f: {  	v3 =	vld.idx.msk [tilespmem:v60+s17+$0x0], $0xffff  }
0xa0: {  	v63 =	vld.idx.msk [tilespmem:v4+s16+$0x0], $0xffff;
	v1 =	vadd.f32 v2, v1;
	v2 =	vmul.f32 v5, v61  }
0xa1: {  	v4 =	vld.idx.msk [tilespmem:v4+s17+$0x0], $0xffff  }
0xa2: {  	s25 =	simm.s32 $0x20;
	v1 =	vadd.f32 v2, v1;
	v2 =	vmul.f32 v7, v6  }
0xa3: {  	v5 =	vmov s25  }
0xa4: {  	v5 =	vshll.u32 v5, $0x4;
	v3 =	vmul.f32 v3, v62;
	v6 =	vadd.f32 v2, v1  }
0xa5: {  	v1 =	vor.u32 v0, v5  }
0xa6: {  	s23 =	simm.s32 $0x4600;
	v4 =	vmul.f32 v4, v63;
	s25 =	simm.s32 $0x30;
	v2 =	vor.u32 $0x2, v1;
	v3 =	vadd.f32 v3, v6  }
.LBB2_2:
0xa7: {  	p0 =	sne.s32 s25, $0x1F0  }
0xa8: {  	v3 =	vadd.f32 v4, v3  }
0xa9: {  	s23 =	sadd.s32 $0x10, s23;
	v4 =	vor.u32 $0x1, v1  }
0xaa: {  	[tilespmem:s23+$0x0] =	vst v3  }
0xab: {  	v3 =	vld.idx.msk [tilespmem:v2+s16+$0x0], $0xffff  }
0xac: {  	v5 =	vld.idx.msk [tilespmem:v1+s16+$0x0], $0xffff  }
0xad: {  	v7 =	vor.u32 $0x3, v1;
	v6 =	vld.idx.msk [tilespmem:v1+s17+$0x0], $0xffff  }
0xae: {  	v8 =	vld.idx.msk [tilespmem:v4+s16+$0x0], $0xffff  }
0xaf: {  	v9 =	vor.u32 $0x4, v1;
	s22 =	sadd.s32 $0x10, s22;
	v4 =	vld.idx.msk [tilespmem:v4+s17+$0x0], $0xffff  }
0xb0: {  	v10 =	vld [tilespmem:s22+$0x0]  }
0xb1: {  	v11 =	vor.u32 $0x5, v1;
	v2 =	vld.idx.msk [tilespmem:v2+s17+$0x0], $0xffff  }
0xb2: {  	v12 =	vld.idx.msk [tilespmem:v7+s16+$0x0], $0xffff  }
0xb3: {  	v5 =	vmul.f32 v6, v5;
	v6 =	vld.idx.msk [tilespmem:v7+s17+$0x0], $0xffff;
	v7 =	vor.u32 $0x6, v1  }
0xb4: {  	v13 =	vld.idx.msk [tilespmem:v9+s16+$0x0], $0xffff  }
0xb5: {  	v4 =	vmul.f32 v4, v8;
	v5 =	vadd.f32 v5, v10;
	v8 =	vld.idx.msk [tilespmem:v9+s17+$0x0], $0xffff;
	v9 =	vor.u32 $0x7, v1  }
0xb6: {  	v10 =	vld.idx.msk [tilespmem:v11+s16+$0x0], $0xffff  }
0xb7: {  	v2 =	vmul.f32 v2, v3;
	v4 =	vadd.f32 v4, v5;
	v3 =	vld.idx.msk [tilespmem:v11+s17+$0x0], $0xffff;
	v5 =	vor.u32 $0x8, v1  }
0xb8: {  	v11 =	vld.idx.msk [tilespmem:v7+s16+$0x0], $0xffff  }
0xb9: {  	v2 =	vadd.f32 v2, v4;
	v4 =	vmul.f32 v6, v12;
	v6 =	vld.idx.msk [tilespmem:v7+s17+$0x0], $0xffff;
	v7 =	vor.u32 $0x9, v1  }
0xba: {  	v12 =	vld.idx.msk [tilespmem:v9+s16+$0x0], $0xffff  }
0xbb: {  	v2 =	vadd.f32 v4, v2;
	v4 =	vmul.f32 v8, v13;
	v8 =	vld.idx.msk [tilespmem:v9+s17+$0x0], $0xffff;
	v9 =	vor.u32 $0xA, v1  }
0xbc: {  	v13 =	vld.idx.msk [tilespmem:v5+s16+$0x0], $0xffff  }
0xbd: {  	v3 =	vmul.f32 v3, v10;
	v2 =	vadd.f32 v4, v2;
	v4 =	vld.idx.msk [tilespmem:v5+s17+$0x0], $0xffff;
	v5 =	vor.u32 $0xB, v1  }
0xbe: {  	v10 =	vld.idx.msk [tilespmem:v7+s16+$0x0], $0xffff  }
0xbf: {  	v2 =	vadd.f32 v3, v2;
	v3 =	vmul.f32 v6, v11;
	v6 =	vld.idx.msk [tilespmem:v7+s17+$0x0], $0xffff;
	v7 =	vor.u32 $0xC, v1  }
0xc0: {  	v11 =	vld.idx.msk [tilespmem:v9+s16+$0x0], $0xffff  }
0xc1: {  	v2 =	vadd.f32 v3, v2;
	v3 =	vmul.f32 v8, v12;
	v8 =	vld.idx.msk [tilespmem:v9+s17+$0x0], $0xffff;
	v9 =	vor.u32 $0xD, v1  }
0xc2: {  	v12 =	vld.idx.msk [tilespmem:v5+s16+$0x0], $0xffff  }
0xc3: {  	v2 =	vadd.f32 v3, v2;
	v3 =	vmul.f32 v4, v13;
	v4 =	vld.idx.msk [tilespmem:v5+s17+$0x0], $0xffff;
	v5 =	vor.u32 $0xE, v1  }
0xc4: {  	v13 =	vld.idx.msk [tilespmem:v7+s16+$0x0], $0xffff  }
0xc5: {  	v1 =	vor.u32 $0xF, v1;
	v2 =	vadd.f32 v3, v2;
	v3 =	vmul.f32 v6, v10;
	v6 =	vld.idx.msk [tilespmem:v7+s17+$0x0], $0xffff  }
0xc6: {  	v7 =	vld.idx.msk [tilespmem:v9+s16+$0x0], $0xffff  }
0xc7: {  	v2 =	vadd.f32 v3, v2;
	v3 =	vmul.f32 v8, v11;
	v8 =	vld.idx.msk [tilespmem:v9+s17+$0x0], $0xffff  }
0xc8: {  	v9 =	vld.idx.msk [tilespmem:v5+s16+$0x0], $0xffff  }
0xc9: {  	v2 =	vadd.f32 v3, v2;
	v3 =	vmul.f32 v4, v12;
	v4 =	vld.idx.msk [tilespmem:v5+s17+$0x0], $0xffff  }
0xca: {  	v5 =	vld.idx.msk [tilespmem:v1+s16+$0x0], $0xffff  }
0xcb: {  	v2 =	vadd.f32 v3, v2;
	v3 =	vmul.f32 v6, v13;
	v6 =	vld.idx.msk [tilespmem:v1+s17+$0x0], $0xffff;
	_ =	sdelay $0x1  }
.Ltmp0:
0xcc: {  	v1 =	vadd.f32 v3, v2;
	v2 =	vmul.f32 v8, v7;
	(pc) =	sbr.rel @p0 .LBB2_2-.Ltmp0, $4  }
0xcd: {  	v3 =	vmov s25  }
0xce: {  	v3 =	vshll.u32 v3, $0x4;
	v4 =	vmul.f32 v4, v9;
	v7 =	vadd.f32 v2, v1  }
0xcf: {  	v1 =	vor.u32 v0, v3  }
0xd0: {  	s25 =	sadd.s32 $0x10, s25;
	v2 =	vor.u32 $0x2, v1;
	v3 =	vadd.f32 v4, v7;
	v4 =	vmul.f32 v6, v5  }
0xd1: {  	_ = 	snop  }
0xd2: {  	v3 =	vadd.f32 v4, v3  }
0xd3: {  	v31 =	vor.u32 $0x1, v1;
	s23 =	sadd.s32 $0x10, s23  }
0xd4: {  	[tilespmem:s23+$0x0] =	vst v3  }
0xd5: {  	v3 =	vld.idx.msk [tilespmem:v1+s16+$0x0], $0xffff  }
0xd6: {  	s22 =	sadd.s32 $0x10, s22;
	v5 =	vld.idx.msk [tilespmem:v1+s17+$0x0], $0xffff  }
0xd7: {  	v6 =	vor.u32 $0x3, v1;
	v9 =	vld [tilespmem:s22+$0x0]  }
0xd8: {  	v7 =	vld.idx.msk [tilespmem:v31+s16+$0x0], $0xffff  }
0xd9: {  	v8 =	vor.u32 $0x4, v1;
	v4 =	vld.idx.msk [tilespmem:v31+s17+$0x0], $0xffff  }
0xda: {  	v10 =	vld.idx.msk [tilespmem:v2+s16+$0x0], $0xffff  }
0xdb: {  	v11 =	vor.u32 $0x5, v1;
	v2 =	vld.idx.msk [tilespmem:v2+s17+$0x0], $0xffff  }
0xdc: {  	v12 =	vld.idx.msk [tilespmem:v6+s16+$0x0], $0xffff;
	v3 =	vmul.f32 v5, v3  }
0xdd: {  	v33 =	vor.u32 $0x6, v1;
	v32 =	vld.idx.msk [tilespmem:v6+s17+$0x0], $0xffff  }
0xde: {  	v13 =	vld.idx.msk [tilespmem:v8+s16+$0x0], $0xffff;
	v4 =	vmul.f32 v4, v7;
	v3 =	vadd.f32 v3, v9  }
0xdf: {  	v35 =	vor.u32 $0x7, v1;
	v34 =	vld.idx.msk [tilespmem:v8+s17+$0x0], $0xffff  }
0xe0: {  	v36 =	vld.idx.msk [tilespmem:v11+s16+$0x0], $0xffff;
	v2 =	vmul.f32 v2, v10;
	v3 =	vadd.f32 v4, v3  }
0xe1: {  	v38 =	vor.u32 $0x8, v1;
	v37 =	vld.idx.msk [tilespmem:v11+s17+$0x0], $0xffff  }
0xe2: {  	v39 =	vld.idx.msk [tilespmem:v33+s16+$0x0], $0xffff;
	v2 =	vadd.f32 v2, v3;
	v3 =	vmul.f32 v32, v12  }
0xe3: {  	v41 =	vor.u32 $0x9, v1;
	v40 =	vld.idx.msk [tilespmem:v33+s17+$0x0], $0xffff  }
0xe4: {  	v42 =	vld.idx.msk [tilespmem:v35+s16+$0x0], $0xffff;
	v2 =	vadd.f32 v3, v2;
	v3 =	vmul.f32 v34, v13  }
0xe5: {  	v44 =	vor.u32 $0xA, v1;
	v43 =	vld.idx.msk [tilespmem:v35+s17+$0x0], $0xffff  }
0xe6: {  	v45 =	vld.idx.msk [tilespmem:v38+s16+$0x0], $0xffff;
	v2 =	vadd.f32 v3, v2;
	v3 =	vmul.f32 v37, v36  }
0xe7: {  	v47 =	vor.u32 $0xB, v1;
	v46 =	vld.idx.msk [tilespmem:v38+s17+$0x0], $0xffff  }
0xe8: {  	v48 =	vld.idx.msk [tilespmem:v41+s16+$0x0], $0xffff;
	v2 =	vadd.f32 v3, v2;
	v3 =	vmul.f32 v40, v39  }
0xe9: {  	v50 =	vor.u32 $0xC, v1;
	v49 =	vld.idx.msk [tilespmem:v41+s17+$0x0], $0xffff  }
0xea: {  	v51 =	vld.idx.msk [tilespmem:v44+s16+$0x0], $0xffff;
	v2 =	vadd.f32 v3, v2;
	v3 =	vmul.f32 v43, v42  }
0xeb: {  	v53 =	vor.u32 $0xD, v1;
	v52 =	vld.idx.msk [tilespmem:v44+s17+$0x0], $0xffff  }
0xec: {  	v54 =	vld.idx.msk [tilespmem:v47+s16+$0x0], $0xffff;
	v2 =	vadd.f32 v3, v2;
	v3 =	vmul.f32 v46, v45  }
0xed: {  	v56 =	vor.u32 $0xE, v1;
	v55 =	vld.idx.msk [tilespmem:v47+s17+$0x0], $0xffff  }
0xee: {  	v57 =	vld.idx.msk [tilespmem:v50+s16+$0x0], $0xffff;
	v2 =	vadd.f32 v3, v2;
	v3 =	vmul.f32 v49, v48  }
0xef: {  	v1 =	vor.u32 $0xF, v1;
	v58 =	vld.idx.msk [tilespmem:v50+s17+$0x0], $0xffff  }
0xf0: {  	v59 =	vld.idx.msk [tilespmem:v53+s16+$0x0], $0xffff;
	v2 =	vadd.f32 v3, v2;
	v3 =	vmul.f32 v52, v51  }
0xf1: {  	v60 =	vld.idx.msk [tilespmem:v53+s17+$0x0], $0xffff  }
0xf2: {  	v61 =	vld.idx.msk [tilespmem:v56+s16+$0x0], $0xffff;
	v2 =	vadd.f32 v3, v2;
	v3 =	vmul.f32 v55, v54  }
0xf3: {  	v62 =	vld.idx.msk [tilespmem:v56+s17+$0x0], $0xffff  }
0xf4: {  	v63 =	vld.idx.msk [tilespmem:v1+s16+$0x0], $0xffff;
	v2 =	vadd.f32 v3, v2;
	v3 =	vmul.f32 v58, v57  }
0xf5: {  	v1 =	vld.idx.msk [tilespmem:v1+s17+$0x0], $0xffff  }
0xf6: {  	v2 =	vadd.f32 v3, v2;
	v3 =	vmul.f32 v60, v59;
	_ =	sdelay $0x1  }
0xf7: {  	v2 =	vadd.f32 v3, v2;
	v3 =	vmul.f32 v62, v61;
	_ =	sdelay $0x1  }
0xf8: {  	v1 =	vmul.f32 v1, v63;
	v2 =	vadd.f32 v3, v2;
	_ =	sdelay $0x1  }
0xf9: {  	v1 =	vadd.f32 v1, v2  }
0xfa: {  	s25 =	sadd.s32 $0x10, s23  }
0xfb: {  	[tilespmem:s25+$0x0] =	vst v1  }
0xfc: {  	[hbm4b:s8+s3] =	stream.linear.scatter [tilespmem:s18], [sflag:$0x2], $0x200, $0x38;
	[tilespmem:$0x4800] =	vst v63  }
0xfd: {  	_ =	swait.ge [sflag:s13], $0x200  }
0xfe: {  	[sflag:s13] =	ssyncset.done $0x0  }
0xff: {  	[sflag:s13] =	ssyncadd.s32 $0xFFFFFE00  }
0x100: {  	[hbm4b:s9+s3] =	stream.linear.scatter [tilespmem:s20], [sflag:$0x2], $0x200, $0x38;
	[tilespmem:$0x4800] =	vst v63  }
0x101: {  	_ =	swait.ge [sflag:s13], $0x200  }
0x102: {  	[sflag:s13] =	ssyncset.done $0x0  }
0x103: {  	[sflag:s13] =	ssyncadd.s32 $0xFFFFFE00  }
0x104: {  	[hbm4b:s10+s3] =	stream.linear.scatter [tilespmem:s16], [sflag:$0x2], $0x2000, $0x38;
	[tilespmem:$0x4800] =	vst v63  }
0x105: {  	s21 =	sadd.s32 $0x1, s21;
	_ =	swait.ge [sflag:s13], $0x2000  }
0x106: {  	p0 =	sne.s32 s21, s12;
	[sflag:s13] =	ssyncset.done $0x0  }
.Ltmp1:
0x107: {  	[sflag:s13] =	ssyncadd.s32 $0xFFFFE000;
	(pc) =	sbr.rel @p0 .LBB2_1-.Ltmp1, $4  }
0x108: {  	[hbm4b:s11+s3] =	stream.linear.scatter [tilespmem:s17], [sflag:$0x2], $0x2000, $0x38;
	[tilespmem:$0x4800] =	vst v63  }
0x109: {  	_ =	swait.ge [sflag:s13], $0x2000  }
0x10a: {  	[sflag:s13] =	ssyncset.done $0x0  }
0x10b: {  	[sflag:s13] =	ssyncadd.s32 $0xFFFFE000  }
0x10c: {  	_ =	sfence.sel $0x180000  }
0x10d: {  	[bflag:$0x0] =	sbarrier.arrive $0xFFFF  }
0x10e: {  	_ =	strace $0x90000047  }
0x10f: {  	s0 =	stileid.u32;
	[bflag:$0x2] =	sbarrier.arrive $0xFFFF  }
0x110: {  	p0 =	sne.s32 s0, $0x0;
	s0 =	rddreg [dreg:$0x7]  }
0x111: {  	s0 =	sadd.s32 @!p0 $0x100000, s0  }
0x112: {  	[sflag:s0] =	ssyncadd.tile.s32 @!p0 $0x1;
	_ =	shalt  }
.Lfunc_end2:
_tile_overlayer_lowered:
.L_overlay_start_2:
0x113: {  	(tag) =	ssettag $0x2  }
0x114: {  	s0 =	rddreg [dreg:$0x0];
	s2 =	stileid.u32  }
0x115: {  	s1 =	rddreg [dreg:$0x1];
	p0 =	sne.s32 s2, $0x0  }
0x116: {  	s3 =	rddreg [dreg:$0x2];
	[bflag:$0x3] =	sbarrier.arrive $0xFFFF;
	s2 =	simm.s32 @!p0 $0x1C02  }
0x117: {  	[timem:s3], [sflag:s2] =	dma.local @!p0 [hbm:s0], s1  }
0x118: {  	s0 =	simm.s32 @!p0 $0x2  }
0x119: {  	_ =	swait.ge @!p0 [sflag:s0], s1  }
0x11a: {  	s1 =	ssub.s32 @!p0 $0x0, s1;
	[sflag:s0] =	ssyncset.done @!p0 $0x0  }
0x11b: {  	[sflag:s0] =	ssyncadd.s32 @!p0 s1  }
0x11c: {  	[bflag:$0x3] =	sbarrier.arrive $0xFFFF  }
0x11d: {  	_ =	shalt  }

</sc_bundles>
